<compile_context>
chip_gen: v7x
topology: tpu7x:2x2x1
jax: 0.10.2.dev20260603
libtpu: 0.0.44.dev20260713+nightly
codegen_flags: <defaults>
</compile_context>

<pallas_src>
import functools

import jax
import jax.numpy as jnp
from jax import lax
from jax.experimental import pallas as pl
from jax.experimental.pallas import tpu as pltpu
from jax.experimental.pallas import tpu_sc as plsc

_CHUNK = 32


def kernel(image_ids, embeddings_weight):
    (B,) = image_ids.shape
    V, D = embeddings_weight.shape
    info = plsc.get_sparse_core_info()
    NC, NS = info.num_cores, info.num_subcores
    NW = NC * NS
    assert B % (NW * _CHUNK) == 0
    b_per_w = B // NW
    n_chunks = b_per_w // _CHUNK

    mesh = plsc.VectorSubcoreMesh(core_axis_name="c", subcore_axis_name="s")

    @functools.partial(
        pl.kernel,
        mesh=mesh,
        out_type=jax.ShapeDtypeStruct((B, D), jnp.float32),
        scratch_types=[
            pltpu.VMEM((b_per_w,), jnp.int32),
            pltpu.VMEM((b_per_w, D), jnp.float32),
            pltpu.SemaphoreType.DMA,
        ],
    )
    def gather_kernel(idx_hbm, table_hbm, out_hbm, idx_v, rows_v, sem):
        wid = lax.axis_index("s") * NC + lax.axis_index("c")
        base = wid * b_per_w
        with jax.named_scope("stage_idx"):
            pltpu.sync_copy(idx_hbm.at[pl.ds(base, b_per_w)], idx_v)

        with jax.named_scope("fire_gathers"):

            @plsc.parallel_loop(0, n_chunks)
            def _fire(c):
                off = c * _CHUNK
                idx_vec = idx_v[pl.ds(off, _CHUNK)]
                for j in range(_CHUNK):
                    pltpu.async_copy(
                        table_hbm.at[pl.ds(idx_vec[j], 1)],
                        rows_v.at[pl.ds(off, _CHUNK)].at[pl.ds(j, 1)],
                        sem,
                    )

        with jax.named_scope("drain_gathers"):

            @pl.loop(0, n_chunks)
            def _drain(c):
                for j in range(_CHUNK):
                    pltpu.make_async_copy(
                        table_hbm.at[pl.ds(0, 1)],
                        rows_v.at[pl.ds(0, _CHUNK)].at[pl.ds(j, 1)],
                        sem,
                    ).wait()

        with jax.named_scope("writeback"):
            pltpu.sync_copy(rows_v, out_hbm.at[pl.ds(base, b_per_w)])

    return gather_kernel(image_ids.astype(jnp.int32), embeddings_weight)

# --- scband reference (transcript-rebuilt; emitter-appended) ---
"""Pipeline reference for scband-appearance-embedding-25340307047026 (READ-ONLY COPY).

The authoritative reference and input builder live on the scoring server;
editing this copy changes nothing except your own understanding.
"""

import jax, jax.numpy as jnp
import numpy as np

NUM_IMAGES = 1000000
APP_DIM = 32
EMB_DIM = 3 * APP_DIM
BATCH = 16384


def setup_inputs(seed: int = 0) -> dict:
    key = jax.random.key(seed)
    k_idx, k_w = jax.random.split(key)
    image_ids = jax.random.randint(k_idx, (BATCH,), 0, NUM_IMAGES, dtype=jnp.int64 if jax.config.jax_enable_x64 else jnp.int32)
    # nn.init.normal_(weight, mean=0.0, std=0.01)
    embeddings_weight = jax.random.normal(k_w, (NUM_IMAGES, EMB_DIM), dtype=jnp.float32) * 0.01
    return {"image_ids": image_ids, "embeddings_weight": embeddings_weight}


def reference(image_ids, embeddings_weight):
    # nn.Embedding forward == row gather
    return jnp.take(embeddings_weight, image_ids, axis=0)

if __name__ == "__main__":
    import jax
    _d = setup_inputs()
    print(jax.jit(kernel)(*tuple(_d.values())))

</pallas_src>

<mosaic_0001>
#map = affine_map<(d0, d1) -> (0)>
#map1 = affine_map<(d0, d1) -> (0, 0)>
module attributes {stable_mosaic.version = 14 : i64} {
  func.func @gather_kernel(%arg0: i32, %arg1: i32, %arg2: memref<16384xi32, #tpu.memory_space<hbm>>, %arg3: memref<1000000x96xf32, #tpu.memory_space<hbm>>, %arg4: memref<16384x96xf32, #tpu.memory_space<hbm>>, %arg5: memref<512xi32, #tpu.memory_space<vmem>>, %arg6: memref<512x96xf32, #tpu.memory_space<vmem>>, %arg7: memref<!tpu.dma_semaphore, #tpu.memory_space<semaphore_mem>>) attributes {dimension_semantics = [#tpu.dimension_semantics<core_parallel>, #tpu.dimension_semantics<subcore_parallel>], iteration_bounds = array<i64: 2, 16>, scalar_prefetch = 0 : i64, scratch_operands = 3 : i64, tpu.core_type = #tpu.core_type<sc_vector_subcore>, window_params = [{transform_indices = #map}, {transform_indices = #map1}, {transform_indices = #map1}]} {
    %mul3A = arith.constant 2 : i32
    %mul3A_0 = arith.muli %arg1, %mul3A : i32
    %add3A = arith.addi %mul3A_0, %arg0 : i32
    %mul3A_1 = arith.constant 512 : i32
    %mul3A_2 = arith.muli %add3A, %mul3A_1 : i32
    "tpu.trace_start"() <{level = 10 : i32, message = "stage_idx"}> : () -> ()
    "tpu.region"() ({
      %run_scoped3A = tpu.sem_alloc : memref<!tpu.dma_semaphore, #tpu.memory_space<semaphore_mem>>
      %dma_start3A = tpu.memref_slice %arg2[%mul3A_2] : memref<16384xi32, #tpu.memory_space<hbm>> -> memref<512xi32, #tpu.memory_space<hbm>>
      %dma_start3A_9 = tpu.memref_slice %arg2[%mul3A_2] : memref<16384xi32, #tpu.memory_space<hbm>> -> memref<512xi32, #tpu.memory_space<hbm>>
      tpu.enqueue_dma source(%dma_start3A_9 : memref<512xi32, #tpu.memory_space<hbm>>) target(%arg5 : memref<512xi32, #tpu.memory_space<vmem>>) target_semaphore(%run_scoped3A : memref<!tpu.dma_semaphore, #tpu.memory_space<semaphore_mem>>)
      %dma_wait3A = tpu.memref_slice %arg2[%mul3A_2] : memref<16384xi32, #tpu.memory_space<hbm>> -> memref<512xi32, #tpu.memory_space<hbm>>
      %dma_wait3A_10 = tpu.memref_slice %arg2[%mul3A_2] : memref<16384xi32, #tpu.memory_space<hbm>> -> memref<512xi32, #tpu.memory_space<hbm>>
      tpu.wait_dma2 semaphore(%run_scoped3A : memref<!tpu.dma_semaphore, #tpu.memory_space<semaphore_mem>>) src(%dma_wait3A_10 : memref<512xi32, #tpu.memory_space<hbm>>) dst(%arg5 : memref<512xi32, #tpu.memory_space<vmem>>)
      tpu.yield
    }) : () -> ()
    %parallel_loop3A = arith.constant 0 : i32
    %parallel_loop3A_3 = arith.constant 16 : i32
    %parallel_loop3A_4 = arith.constant 1 : i32
    "tpu.trace_stop"() : () -> ()
    "tpu.trace_start"() <{level = 10 : i32, message = "fire_gathers"}> : () -> ()
    scf.for %parallel_loop3A_9 = %parallel_loop3A to %parallel_loop3A_3 step %parallel_loop3A_4  : i32 {
      %parallel_loop3A_10 = arith.constant 32 : i32
      %parallel_loop3A_11 = arith.muli %parallel_loop3A_9, %parallel_loop3A_10 : i32
      %parallel_loop3A_12 = arith.index_cast %parallel_loop3A_11 : i32 to index
      %parallel_loop3A_13 = tpu.vector_load %arg5[%parallel_loop3A_12] {strides = array<i32>} : memref<512xi32, #tpu.memory_space<vmem>>, vector<32xi32>,
      %parallel_loop3A_14 = vector.shape_cast %parallel_loop3A_13 : vector<32xi32> to vector<32xi32>
      %parallel_loop3A_15 = vector.extract_strided_slice %parallel_loop3A_14 {offsets = [0], sizes = [1], strides = [1]} : vector<32xi32> to vector<1xi32>
      %parallel_loop3A_16 = vector.extract %parallel_loop3A_15[0] : i32 from vector<1xi32>
      %parallel_loop3A_17 = arith.constant 0 : i32
      %parallel_loop3A_18 = tpu.memref_slice %arg6[%parallel_loop3A_11, %parallel_loop3A_17] : memref<512x96xf32, #tpu.memory_space<vmem>> -> memref<32x96xf32, #tpu.memory_space<vmem>>
      %parallel_loop3A_19 = arith.constant 0 : i32
      %parallel_loop3A_20 = arith.constant 0 : i32
      %parallel_loop3A_21 = tpu.memref_slice %parallel_loop3A_18[%parallel_loop3A_19, %parallel_loop3A_20] : memref<32x96xf32, #tpu.memory_space<vmem>> -> memref<1x96xf32, #tpu.memory_space<vmem>>
      %parallel_loop3A_22 = arith.constant 0 : i32
      %parallel_loop3A_23 = tpu.memref_slice %arg3[%parallel_loop3A_16, %parallel_loop3A_22] : memref<1000000x96xf32, #tpu.memory_space<hbm>> -> memref<1x96xf32, #tpu.memory_space<hbm>>
      %parallel_loop3A_24 = arith.constant 0 : i32
      %parallel_loop3A_25 = tpu.memref_slice %arg6[%parallel_loop3A_11, %parallel_loop3A_24] : memref<512x96xf32, #tpu.memory_space<vmem>> -> memref<32x96xf32, #tpu.memory_space<vmem>>
      %parallel_loop3A_26 = arith.constant 0 : i32
      %parallel_loop3A_27 = arith.constant 0 : i32
      %parallel_loop3A_28 = tpu.memref_slice %parallel_loop3A_25[%parallel_loop3A_26, %parallel_loop3A_27] : memref<32x96xf32, #tpu.memory_space<vmem>> -> memref<1x96xf32, #tpu.memory_space<vmem>>
      %parallel_loop3A_29 = arith.constant 0 : i32
      %parallel_loop3A_30 = tpu.memref_slice %arg3[%parallel_loop3A_16, %parallel_loop3A_29] : memref<1000000x96xf32, #tpu.memory_space<hbm>> -> memref<1x96xf32, #tpu.memory_space<hbm>>
      tpu.enqueue_dma source(%parallel_loop3A_30 : memref<1x96xf32, #tpu.memory_space<hbm>>) target(%parallel_loop3A_28 : memref<1x96xf32, #tpu.memory_space<vmem>>) target_semaphore(%arg7 : memref<!tpu.dma_semaphore, #tpu.memory_space<semaphore_mem>>)
      %parallel_loop3A_31 = vector.extract_strided_slice %parallel_loop3A_14 {offsets = [1], sizes = [1], strides = [1]} : vector<32xi32> to vector<1xi32>
      %parallel_loop3A_32 = vector.extract %parallel_loop3A_31[0] : i32 from vector<1xi32>
      %parallel_loop3A_33 = arith.constant 0 : i32
      %parallel_loop3A_34 = tpu.memref_slice %arg6[%parallel_loop3A_11, %parallel_loop3A_33] : memref<512x96xf32, #tpu.memory_space<vmem>> -> memref<32x96xf32, #tpu.memory_space<vmem>>
      %parallel_loop3A_35 = arith.constant 1 : i32
      %parallel_loop3A_36 = arith.constant 0 : i32
      %parallel_loop3A_37 = tpu.memref_slice %parallel_loop3A_34[%parallel_loop3A_35, %parallel_loop3A_36] : memref<32x96xf32, #tpu.memory_space<vmem>> -> memref<1x96xf32, #tpu.memory_space<vmem>>
      %parallel_loop3A_38 = arith.constant 0 : i32
      %parallel_loop3A_39 = tpu.memref_slice %arg3[%parallel_loop3A_32, %parallel_loop3A_38] : memref<1000000x96xf32, #tpu.memory_space<hbm>> -> memref<1x96xf32, #tpu.memory_space<hbm>>
      %parallel_loop3A_40 = arith.constant 0 : i32
      %parallel_loop3A_41 = tpu.memref_slice %arg6[%parallel_loop3A_11, %parallel_loop3A_40] : memref<512x96xf32, #tpu.memory_space<vmem>> -> memref<32x96xf32, #tpu.memory_space<vmem>>
      %parallel_loop3A_42 = arith.constant 1 : i32
      %parallel_loop3A_43 = arith.constant 0 : i32
      %parallel_loop3A_44 = tpu.memref_slice %parallel_loop3A_41[%parallel_loop3A_42, %parallel_loop3A_43] : memref<32x96xf32, #tpu.memory_space<vmem>> -> memref<1x96xf32, #tpu.memory_space<vmem>>
      %parallel_loop3A_45 = arith.constant 0 : i32
      %parallel_loop3A_46 = tpu.memref_slice %arg3[%parallel_loop3A_32, %parallel_loop3A_45] : memref<1000000x96xf32, #tpu.memory_space<hbm>> -> memref<1x96xf32, #tpu.memory_space<hbm>>
      tpu.enqueue_dma source(%parallel_loop3A_46 : memref<1x96xf32, #tpu.memory_space<hbm>>) target(%parallel_loop3A_44 : memref<1x96xf32, #tpu.memory_space<vmem>>) target_semaphore(%arg7 : memref<!tpu.dma_semaphore, #tpu.memory_space<semaphore_mem>>)
      %parallel_loop3A_47 = vector.extract_strided_slice %parallel_loop3A_14 {offsets = [2], sizes = [1], strides = [1]} : vector<32xi32> to vector<1xi32>
      %parallel_loop3A_48 = vector.extract %parallel_loop3A_47[0] : i32 from vector<1xi32>
      %parallel_loop3A_49 = arith.constant 0 : i32
      %parallel_loop3A_50 = tpu.memref_slice %arg6[%parallel_loop3A_11, %parallel_loop3A_49] : memref<512x96xf32, #tpu.memory_space<vmem>> -> memref<32x96xf32, #tpu.memory_space<vmem>>
      %parallel_loop3A_51 = arith.constant 2 : i32
      %parallel_loop3A_52 = arith.constant 0 : i32
      %parallel_loop3A_53 = tpu.memref_slice %parallel_loop3A_50[%parallel_loop3A_51, %parallel_loop3A_52] : memref<32x96xf32, #tpu.memory_space<vmem>> -> memref<1x96xf32, #tpu.memory_space<vmem>>
      %parallel_loop3A_54 = arith.constant 0 : i32
      %parallel_loop3A_55 = tpu.memref_slice %arg3[%parallel_loop3A_48, %parallel_loop3A_54] : memref<1000000x96xf32, #tpu.memory_space<hbm>> -> memref<1x96xf32, #tpu.memory_space<hbm>>
      %parallel_loop3A_56 = arith.constant 0 : i32
      %parallel_loop3A_57 = tpu.memref_slice %arg6[%parallel_loop3A_11, %parallel_loop3A_56] : memref<512x96xf32, #tpu.memory_space<vmem>> -> memref<32x96xf32, #tpu.memory_space<vmem>>
      %parallel_loop3A_58 = arith.constant 2 : i32
      %parallel_loop3A_59 = arith.constant 0 : i32
      %parallel_loop3A_60 = tpu.memref_slice %parallel_loop3A_57[%parallel_loop3A_58, %parallel_loop3A_59] : memref<32x96xf32, #tpu.memory_space<vmem>> -> memref<1x96xf32, #tpu.memory_space<vmem>>
      %parallel_loop3A_61 = arith.constant 0 : i32
      %parallel_loop3A_62 = tpu.memref_slice %arg3[%parallel_loop3A_48, %parallel_loop3A_61] : memref<1000000x96xf32, #tpu.memory_space<hbm>> -> memref<1x96xf32, #tpu.memory_space<hbm>>
      tpu.enqueue_dma source(%parallel_loop3A_62 : memref<1x96xf32, #tpu.memory_space<hbm>>) target(%parallel_loop3A_60 : memref<1x96xf32, #tpu.memory_space<vmem>>) target_semaphore(%arg7 : memref<!tpu.dma_semaphore, #tpu.memory_space<semaphore_mem>>)
      %parallel_loop3A_63 = vector.extract_strided_slice %parallel_loop3A_14 {offsets = [3], sizes = [1], strides = [1]} : vector<32xi32> to vector<1xi32>
      %parallel_loop3A_64 = vector.extract %parallel_loop3A_63[0] : i32 from vector<1xi32>
      %parallel_loop3A_65 = arith.constant 0 : i32
      %parallel_loop3A_66 = tpu.memref_slice %arg6[%parallel_loop3A_11, %parallel_loop3A_65] : memref<512x96xf32, #tpu.memory_space<vmem>> -> memref<32x96xf32, #tpu.memory_space<vmem>>
      %parallel_loop3A_67 = arith.constant 3 : i32
      %parallel_loop3A_68 = arith.constant 0 : i32
      %parallel_loop3A_69 = tpu.memref_slice %parallel_loop3A_66[%parallel_loop3A_67, %parallel_loop3A_68] : memref<32x96xf32, #tpu.memory_space<vmem>> -> memref<1x96xf32, #tpu.memory_space<vmem>>
      %parallel_loop3A_70 = arith.constant 0 : i32
      %parallel_loop3A_71 = tpu.memref_slice %arg3[%parallel_loop3A_64, %parallel_loop3A_70] : memref<1000000x96xf32, #tpu.memory_space<hbm>> -> memref<1x96xf32, #tpu.memory_space<hbm>>
      %parallel_loop3A_72 = arith.constant 0 : i32
      %parallel_loop3A_73 = tpu.memref_slice %arg6[%parallel_loop3A_11, %parallel_loop3A_72] : memref<512x96xf32, #tpu.memory_space<vmem>> -> memref<32x96xf32, #tpu.memory_space<vmem>>
      %parallel_loop3A_74 = arith.constant 3 : i32
      %parallel_loop3A_75 = arith.constant 0 : i32
      %parallel_loop3A_76 = tpu.memref_slice %parallel_loop3A_73[%parallel_loop3A_74, %parallel_loop3A_75] : memref<32x96xf32, #tpu.memory_space<vmem>> -> memref<1x96xf32, #tpu.memory_space<vmem>>
      %parallel_loop3A_77 = arith.constant 0 : i32
      %parallel_loop3A_78 = tpu.memref_slice %arg3[%parallel_loop3A_64, %parallel_loop3A_77] : memref<1000000x96xf32, #tpu.memory_space<hbm>> -> memref<1x96xf32, #tpu.memory_space<hbm>>
      tpu.enqueue_dma source(%parallel_loop3A_78 : memref<1x96xf32, #tpu.memory_space<hbm>>) target(%parallel_loop3A_76 : memref<1x96xf32, #tpu.memory_space<vmem>>) target_semaphore(%arg7 : memref<!tpu.dma_semaphore, #tpu.memory_space<semaphore_mem>>)
      %parallel_loop3A_79 = vector.extract_strided_slice %parallel_loop3A_14 {offsets = [4], sizes = [1], strides = [1]} : vector<32xi32> to vector<1xi32>
      %parallel_loop3A_80 = vector.extract %parallel_loop3A_79[0] : i32 from vector<1xi32>
      %parallel_loop3A_81 = arith.constant 0 : i32
      %parallel_loop3A_82 = tpu.memref_slice %arg6[%parallel_loop3A_11, %parallel_loop3A_81] : memref<512x96xf32, #tpu.memory_space<vmem>> -> memref<32x96xf32, #tpu.memory_space<vmem>>
      %parallel_loop3A_83 = arith.constant 4 : i32
      %parallel_loop3A_84 = arith.constant 0 : i32
      %parallel_loop3A_85 = tpu.memref_slice %parallel_loop3A_82[%parallel_loop3A_83, %parallel_loop3A_84] : memref<32x96xf32, #tpu.memory_space<vmem>> -> memref<1x96xf32, #tpu.memory_space<vmem>>
      %parallel_loop3A_86 = arith.constant 0 : i32
      %parallel_loop3A_87 = tpu.memref_slice %arg3[%parallel_loop3A_80, %parallel_loop3A_86] : memref<1000000x96xf32, #tpu.memory_space<hbm>> -> memref<1x96xf32, #tpu.memory_space<hbm>>
      %parallel_loop3A_88 = arith.constant 0 : i32
      %parallel_loop3A_89 = tpu.memref_slice %arg6[%parallel_loop3A_11, %parallel_loop3A_88] : memref<512x96xf32, #tpu.memory_space<vmem>> -> memref<32x96xf32, #tpu.memory_space<vmem>>
      %parallel_loop3A_90 = arith.constant 4 : i32
      %parallel_loop3A_91 = arith.constant 0 : i32
      %parallel_loop3A_92 = tpu.memref_slice %parallel_loop3A_89[%parallel_loop3A_90, %parallel_loop3A_91] : memref<32x96xf32, #tpu.memory_space<vmem>> -> memref<1x96xf32, #tpu.memory_space<vmem>>
      %parallel_loop3A_93 = arith.constant 0 : i32
      %parallel_loop3A_94 = tpu.memref_slice %arg3[%parallel_loop3A_80, %parallel_loop3A_93] : memref<1000000x96xf32, #tpu.memory_space<hbm>> -> memref<1x96xf32, #tpu.memory_space<hbm>>
      tpu.enqueue_dma source(%parallel_loop3A_94 : memref<1x96xf32, #tpu.memory_space<hbm>>) target(%parallel_loop3A_92 : memref<1x96xf32, #tpu.memory_space<vmem>>) target_semaphore(%arg7 : memref<!tpu.dma_semaphore, #tpu.memory_space<semaphore_mem>>)
      %parallel_loop3A_95 = vector.extract_strided_slice %parallel_loop3A_14 {offsets = [5], sizes = [1], strides = [1]} : vector<32xi32> to vector<1xi32>
      %parallel_loop3A_96 = vector.extract %parallel_loop3A_95[0] : i32 from vector<1xi32>
      %parallel_loop3A_97 = arith.constant 0 : i32
      %parallel_loop3A_98 = tpu.memref_slice %arg6[%parallel_loop3A_11, %parallel_loop3A_97] : memref<512x96xf32, #tpu.memory_space<vmem>> -> memref<32x96xf32, #tpu.memory_space<vmem>>
      %parallel_loop3A_99 = arith.constant 5 : i32
      %parallel_loop3A_100 = arith.constant 0 : i32
      %parallel_loop3A_101 = tpu.memref_slice %parallel_loop3A_98[%parallel_loop3A_99, %parallel_loop3A_100] : memref<32x96xf32, #tpu.memory_space<vmem>> -> memref<1x96xf32, #tpu.memory_space<vmem>>
      %parallel_loop3A_102 = arith.constant 0 : i32
      %parallel_loop3A_103 = tpu.memref_slice %arg3[%parallel_loop3A_96, %parallel_loop3A_102] : memref<1000000x96xf32, #tpu.memory_space<hbm>> -> memref<1x96xf32, #tpu.memory_space<hbm>>
      %parallel_loop3A_104 = arith.constant 0 : i32
      %parallel_loop3A_105 = tpu.memref_slice %arg6[%parallel_loop3A_11, %parallel_loop3A_104] : memref<512x96xf32, #tpu.memory_space<vmem>> -> memref<32x96xf32, #tpu.memory_space<vmem>>
      %parallel_loop3A_106 = arith.constant 5 : i32
      %parallel_loop3A_107 = arith.constant 0 : i32
      %parallel_loop3A_108 = tpu.memref_slice %parallel_loop3A_105[%parallel_loop3A_106, %parallel_loop3A_107] : memref<32x96xf32, #tpu.memory_space<vmem>> -> memref<1x96xf32, #tpu.memory_space<vmem>>
      %parallel_loop3A_109 = arith.constant 0 : i32
      %parallel_loop3A_110 = tpu.memref_slice %arg3[%parallel_loop3A_96, %parallel_loop3A_109] : memref<1000000x96xf32, #tpu.memory_space<hbm>> -> memref<1x96xf32, #tpu.memory_space<hbm>>
      tpu.enqueue_dma source(%parallel_loop3A_110 : memref<1x96xf32, #tpu.memory_space<hbm>>) target(%parallel_loop3A_108 : memref<1x96xf32, #tpu.memory_space<vmem>>) target_semaphore(%arg7 : memref<!tpu.dma_semaphore, #tpu.memory_space<semaphore_mem>>)
      %parallel_loop3A_111 = vector.extract_strided_slice %parallel_loop3A_14 {offsets = [6], sizes = [1], strides = [1]} : vector<32xi32> to vector<1xi32>
      %parallel_loop3A_112 = vector.extract %parallel_loop3A_111[0] : i32 from vector<1xi32>
      %parallel_loop3A_113 = arith.constant 0 : i32
      %parallel_loop3A_114 = tpu.memref_slice %arg6[%parallel_loop3A_11, %parallel_loop3A_113] : memref<512x96xf32, #tpu.memory_space<vmem>> -> memref<32x96xf32, #tpu.memory_space<vmem>>
      %parallel_loop3A_115 = arith.constant 6 : i32
      %parallel_loop3A_116 = arith.constant 0 : i32
      %parallel_loop3A_117 = tpu.memref_slice %parallel_loop3A_114[%parallel_loop3A_115, %parallel_loop3A_116] : memref<32x96xf32, #tpu.memory_space<vmem>> -> memref<1x96xf32, #tpu.memory_space<vmem>>
      %parallel_loop3A_118 = arith.constant 0 : i32
      %parallel_loop3A_119 = tpu.memref_slice %arg3[%parallel_loop3A_112, %parallel_loop3A_118] : memref<1000000x96xf32, #tpu.memory_space<hbm>> -> memref<1x96xf32, #tpu.memory_space<hbm>>
      %parallel_loop3A_120 = arith.constant 0 : i32
      %parallel_loop3A_121 = tpu.memref_slice %arg6[%parallel_loop3A_11, %parallel_loop3A_120] : memref<512x96xf32, #tpu.memory_space<vmem>> -> memref<32x96xf32, #tpu.memory_space<vmem>>
      %parallel_loop3A_122 = arith.constant 6 : i32
      %parallel_loop3A_123 = arith.constant 0 : i32
      %parallel_loop3A_124 = tpu.memref_slice %parallel_loop3A_121[%parallel_loop3A_122, %parallel_loop3A_123] : memref<32x96xf32, #tpu.memory_space<vmem>> -> memref<1x96xf32, #tpu.memory_space<vmem>>
      %parallel_loop3A_125 = arith.constant 0 : i32
      %parallel_loop3A_126 = tpu.memref_slice %arg3[%parallel_loop3A_112, %parallel_loop3A_125] : memref<1000000x96xf32, #tpu.memory_space<hbm>> -> memref<1x96xf32, #tpu.memory_space<hbm>>
      tpu.enqueue_dma source(%parallel_loop3A_126 : memref<1x96xf32, #tpu.memory_space<hbm>>) target(%parallel_loop3A_124 : memref<1x96xf32, #tpu.memory_space<vmem>>) target_semaphore(%arg7 : memref<!tpu.dma_semaphore, #tpu.memory_space<semaphore_mem>>)
      %parallel_loop3A_127 = vector.extract_strided_slice %parallel_loop3A_14 {offsets = [7], sizes = [1], strides = [1]} : vector<32xi32> to vector<1xi32>
      %parallel_loop3A_128 = vector.extract %parallel_loop3A_127[0] : i32 from vector<1xi32>
      %parallel_loop3A_129 = arith.constant 0 : i32
      %parallel_loop3A_130 = tpu.memref_slice %arg6[%parallel_loop3A_11, %parallel_loop3A_129] : memref<512x96xf32, #tpu.memory_space<vmem>> -> memref<32x96xf32, #tpu.memory_space<vmem>>
      %parallel_loop3A_131 = arith.constant 7 : i32
      %parallel_loop3A_132 = arith.constant 0 : i32
      %parallel_loop3A_133 = tpu.memref_slice %parallel_loop3A_130[%parallel_loop3A_131, %parallel_loop3A_132] : memref<32x96xf32, #tpu.memory_space<vmem>> -> memref<1x96xf32, #tpu.memory_space<vmem>>
      %parallel_loop3A_134 = arith.constant 0 : i32
      %parallel_loop3A_135 = tpu.memref_slice %arg3[%parallel_loop3A_128, %parallel_loop3A_134] : memref<1000000x96xf32, #tpu.memory_space<hbm>> -> memref<1x96xf32, #tpu.memory_space<hbm>>
      %parallel_loop3A_136 = arith.constant 0 : i32
      %parallel_loop3A_137 = tpu.memref_slice %arg6[%parallel_loop3A_11, %parallel_loop3A_136] : memref<512x96xf32, #tpu.memory_space<vmem>> -> memref<32x96xf32, #tpu.memory_space<vmem>>
      %parallel_loop3A_138 = arith.constant 7 : i32
      %parallel_loop3A_139 = arith.constant 0 : i32
      %parallel_loop3A_140 = tpu.memref_slice %parallel_loop3A_137[%parallel_loop3A_138, %parallel_loop3A_139] : memref<32x96xf32, #tpu.memory_space<vmem>> -> memref<1x96xf32, #tpu.memory_space<vmem>>
      %parallel_loop3A_141 = arith.constant 0 : i32
      %parallel_loop3A_142 = tpu.memref_slice %arg3[%parallel_loop3A_128, %parallel_loop3A_141] : memref<1000000x96xf32, #tpu.memory_space<hbm>> -> memref<1x96xf32, #tpu.memory_space<hbm>>
      tpu.enqueue_dma source(%parallel_loop3A_142 : memref<1x96xf32, #tpu.memory_space<hbm>>) target(%parallel_loop3A_140 : memref<1x96xf32, #tpu.memory_space<vmem>>) target_semaphore(%arg7 : memref<!tpu.dma_semaphore, #tpu.memory_space<semaphore_mem>>)
      %parallel_loop3A_143 = vector.extract_strided_slice %parallel_loop3A_14 {offsets = [8], sizes = [1], strides = [1]} : vector<32xi32> to vector<1xi32>
      %parallel_loop3A_144 = vector.extract %parallel_loop3A_143[0] : i32 from vector<1xi32>
      %parallel_loop3A_145 = arith.constant 0 : i32
      %parallel_loop3A_146 = tpu.memref_slice %arg6[%parallel_loop3A_11, %parallel_loop3A_145] : memref<512x96xf32, #tpu.memory_space<vmem>> -> memref<32x96xf32, #tpu.memory_space<vmem>>
      %parallel_loop3A_147 = arith.constant 8 : i32
      %parallel_loop3A_148 = arith.constant 0 : i32
      %parallel_loop3A_149 = tpu.memref_slice %parallel_loop3A_146[%parallel_loop3A_147, %parallel_loop3A_148] : memref<32x96xf32, #tpu.memory_space<vmem>> -> memref<1x96xf32, #tpu.memory_space<vmem>>
      %parallel_loop3A_150 = arith.constant 0 : i32
      %parallel_loop3A_151 = tpu.memref_slice %arg3[%parallel_loop3A_144, %parallel_loop3A_150] : memref<1000000x96xf32, #tpu.memory_space<hbm>> -> memref<1x96xf32, #tpu.memory_space<hbm>>
      %parallel_loop3A_152 = arith.constant 0 : i32
      %parallel_loop3A_153 = tpu.memref_slice %arg6[%parallel_loop3A_11, %parallel_loop3A_152] : memref<512x96xf32, #tpu.memory_space<vmem>> -> memref<32x96xf32, #tpu.memory_space<vmem>>
      %parallel_loop3A_154 = arith.constant 8 : i32
      %parallel_loop3A_155 = arith.constant 0 : i32
      %parallel_loop3A_156 = tpu.memref_slice %parallel_loop3A_153[%parallel_loop3A_154, %parallel_loop3A_155] : memref<32x96xf32, #tpu.memory_space<vmem>> -> memref<1x96xf32, #tpu.memory_space<vmem>>
      %parallel_loop3A_157 = arith.constant 0 : i32
      %parallel_loop3A_158 = tpu.memref_slice %arg3[%parallel_loop3A_144, %parallel_loop3A_157] : memref<1000000x96xf32, #tpu.memory_space<hbm>> -> memref<1x96xf32, #tpu.memory_space<hbm>>
      tpu.enqueue_dma source(%parallel_loop3A_158 : memref<1x96xf32, #tpu.memory_space<hbm>>) target(%parallel_loop3A_156 : memref<1x96xf32, #tpu.memory_space<vmem>>) target_semaphore(%arg7 : memref<!tpu.dma_semaphore, #tpu.memory_space<semaphore_mem>>)
      %parallel_loop3A_159 = vector.extract_strided_slice %parallel_loop3A_14 {offsets = [9], sizes = [1], strides = [1]} : vector<32xi32> to vector<1xi32>
      %parallel_loop3A_160 = vector.extract %parallel_loop3A_159[0] : i32 from vector<1xi32>
      %parallel_loop3A_161 = arith.constant 0 : i32
      %parallel_loop3A_162 = tpu.memref_slice %arg6[%parallel_loop3A_11, %parallel_loop3A_161] : memref<512x96xf32, #tpu.memory_space<vmem>> -> memref<32x96xf32, #tpu.memory_space<vmem>>
      %parallel_loop3A_163 = arith.constant 9 : i32
      %parallel_loop3A_164 = arith.constant 0 : i32
      %parallel_loop3A_165 = tpu.memref_slice %parallel_loop3A_162[%parallel_loop3A_163, %parallel_loop3A_164] : memref<32x96xf32, #tpu.memory_space<vmem>> -> memref<1x96xf32, #tpu.memory_space<vmem>>
      %parallel_loop3A_166 = arith.constant 0 : i32
      %parallel_loop3A_167 = tpu.memref_slice %arg3[%parallel_loop3A_160, %parallel_loop3A_166] : memref<1000000x96xf32, #tpu.memory_space<hbm>> -> memref<1x96xf32, #tpu.memory_space<hbm>>
      %parallel_loop3A_168 = arith.constant 0 : i32
      %parallel_loop3A_169 = tpu.memref_slice %arg6[%parallel_loop3A_11, %parallel_loop3A_168] : memref<512x96xf32, #tpu.memory_space<vmem>> -> memref<32x96xf32, #tpu.memory_space<vmem>>
      %parallel_loop3A_170 = arith.constant 9 : i32
      %parallel_loop3A_171 = arith.constant 0 : i32
      %parallel_loop3A_172 = tpu.memref_slice %parallel_loop3A_169[%parallel_loop3A_170, %parallel_loop3A_171] : memref<32x96xf32, #tpu.memory_space<vmem>> -> memref<1x96xf32, #tpu.memory_space<vmem>>
      %parallel_loop3A_173 = arith.constant 0 : i32
      %parallel_loop3A_174 = tpu.memref_slice %arg3[%parallel_loop3A_160, %parallel_loop3A_173] : memref<1000000x96xf32, #tpu.memory_space<hbm>> -> memref<1x96xf32, #tpu.memory_space<hbm>>
      tpu.enqueue_dma source(%parallel_loop3A_174 : memref<1x96xf32, #tpu.memory_space<hbm>>) target(%parallel_loop3A_172 : memref<1x96xf32, #tpu.memory_space<vmem>>) target_semaphore(%arg7 : memref<!tpu.dma_semaphore, #tpu.memory_space<semaphore_mem>>)
      %parallel_loop3A_175 = vector.extract_strided_slice %parallel_loop3A_14 {offsets = [10], sizes = [1], strides = [1]} : vector<32xi32> to vector<1xi32>
      %parallel_loop3A_176 = vector.extract %parallel_loop3A_175[0] : i32 from vector<1xi32>
      %parallel_loop3A_177 = arith.constant 0 : i32
      %parallel_loop3A_178 = tpu.memref_slice %arg6[%parallel_loop3A_11, %parallel_loop3A_177] : memref<512x96xf32, #tpu.memory_space<vmem>> -> memref<32x96xf32, #tpu.memory_space<vmem>>
      %parallel_loop3A_179 = arith.constant 10 : i32
      %parallel_loop3A_180 = arith.constant 0 : i32
      %parallel_loop3A_181 = tpu.memref_slice %parallel_loop3A_178[%parallel_loop3A_179, %parallel_loop3A_180] : memref<32x96xf32, #tpu.memory_space<vmem>> -> memref<1x96xf32, #tpu.memory_space<vmem>>
      %parallel_loop3A_182 = arith.constant 0 : i32
      %parallel_loop3A_183 = tpu.memref_slice %arg3[%parallel_loop3A_176, %parallel_loop3A_182] : memref<1000000x96xf32, #tpu.memory_space<hbm>> -> memref<1x96xf32, #tpu.memory_space<hbm>>
      %parallel_loop3A_184 = arith.constant 0 : i32
      %parallel_loop3A_185 = tpu.memref_slice %arg6[%parallel_loop3A_11, %parallel_loop3A_184] : memref<512x96xf32, #tpu.memory_space<vmem>> -> memref<32x96xf32, #tpu.memory_space<vmem>>
      %parallel_loop3A_186 = arith.constant 10 : i32
      %parallel_loop3A_187 = arith.constant 0 : i32
      %parallel_loop3A_188 = tpu.memref_slice %parallel_loop3A_185[%parallel_loop3A_186, %parallel_loop3A_187] : memref<32x96xf32, #tpu.memory_space<vmem>> -> memref<1x96xf32, #tpu.memory_space<vmem>>
      %parallel_loop3A_189 = arith.constant 0 : i32
      %parallel_loop3A_190 = tpu.memref_slice %arg3[%parallel_loop3A_176, %parallel_loop3A_189] : memref<1000000x96xf32, #tpu.memory_space<hbm>> -> memref<1x96xf32, #tpu.memory_space<hbm>>
      tpu.enqueue_dma source(%parallel_loop3A_190 : memref<1x96xf32, #tpu.memory_space<hbm>>) target(%parallel_loop3A_188 : memref<1x96xf32, #tpu.memory_space<vmem>>) target_semaphore(%arg7 : memref<!tpu.dma_semaphore, #tpu.memory_space<semaphore_mem>>)
      %parallel_loop3A_191 = vector.extract_strided_slice %parallel_loop3A_14 {offsets = [11], sizes = [1], strides = [1]} : vector<32xi32> to vector<1xi32>
      %parallel_loop3A_192 = vector.extract %parallel_loop3A_191[0] : i32 from vector<1xi32>
      %parallel_loop3A_193 = arith.constant 0 : i32
      %parallel_loop3A_194 = tpu.memref_slice %arg6[%parallel_loop3A_11, %parallel_loop3A_193] : memref<512x96xf32, #tpu.memory_space<vmem>> -> memref<32x96xf32, #tpu.memory_space<vmem>>
      %parallel_loop3A_195 = arith.constant 11 : i32
      %parallel_loop3A_196 = arith.constant 0 : i32
      %parallel_loop3A_197 = tpu.memref_slice %parallel_loop3A_194[%parallel_loop3A_195, %parallel_loop3A_196] : memref<32x96xf32, #tpu.memory_space<vmem>> -> memref<1x96xf32, #tpu.memory_space<vmem>>
      %parallel_loop3A_198 = arith.constant 0 : i32
      %parallel_loop3A_199 = tpu.memref_slice %arg3[%parallel_loop3A_192, %parallel_loop3A_198] : memref<1000000x96xf32, #tpu.memory_space<hbm>> -> memref<1x96xf32, #tpu.memory_space<hbm>>
      %parallel_loop3A_200 = arith.constant 0 : i32
      %parallel_loop3A_201 = tpu.memref_slice %arg6[%parallel_loop3A_11, %parallel_loop3A_200] : memref<512x96xf32, #tpu.memory_space<vmem>> -> memref<32x96xf32, #tpu.memory_space<vmem>>
      %parallel_loop3A_202 = arith.constant 11 : i32
      %parallel_loop3A_203 = arith.constant 0 : i32
      %parallel_loop3A_204 = tpu.memref_slice %parallel_loop3A_201[%parallel_loop3A_202, %parallel_loop3A_203] : memref<32x96xf32, #tpu.memory_space<vmem>> -> memref<1x96xf32, #tpu.memory_space<vmem>>
      %parallel_loop3A_205 = arith.constant 0 : i32
      %parallel_loop3A_206 = tpu.memref_slice %arg3[%parallel_loop3A_192, %parallel_loop3A_205] : memref<1000000x96xf32, #tpu.memory_space<hbm>> -> memref<1x96xf32, #tpu.memory_space<hbm>>
      tpu.enqueue_dma source(%parallel_loop3A_206 : memref<1x96xf32, #tpu.memory_space<hbm>>) target(%parallel_loop3A_204 : memref<1x96xf32, #tpu.memory_space<vmem>>) target_semaphore(%arg7 : memref<!tpu.dma_semaphore, #tpu.memory_space<semaphore_mem>>)
      %parallel_loop3A_207 = vector.extract_strided_slice %parallel_loop3A_14 {offsets = [12], sizes = [1], strides = [1]} : vector<32xi32> to vector<1xi32>
      %parallel_loop3A_208 = vector.extract %parallel_loop3A_207[0] : i32 from vector<1xi32>
      %parallel_loop3A_209 = arith.constant 0 : i32
      %parallel_loop3A_210 = tpu.memref_slice %arg6[%parallel_loop3A_11, %parallel_loop3A_209] : memref<512x96xf32, #tpu.memory_space<vmem>> -> memref<32x96xf32, #tpu.memory_space<vmem>>
      %parallel_loop3A_211 = arith.constant 12 : i32
      %parallel_loop3A_212 = arith.constant 0 : i32
      %parallel_loop3A_213 = tpu.memref_slice %parallel_loop3A_210[%parallel_loop3A_211, %parallel_loop3A_212] : memref<32x96xf32, #tpu.memory_space<vmem>> -> memref<1x96xf32, #tpu.memory_space<vmem>>
      %parallel_loop3A_214 = arith.constant 0 : i32
      %parallel_loop3A_215 = tpu.memref_slice %arg3[%parallel_loop3A_208, %parallel_loop3A_214] : memref<1000000x96xf32, #tpu.memory_space<hbm>> -> memref<1x96xf32, #tpu.memory_space<hbm>>
      %parallel_loop3A_216 = arith.constant 0 : i32
      %parallel_loop3A_217 = tpu.memref_slice %arg6[%parallel_loop3A_11, %parallel_loop3A_216] : memref<512x96xf32, #tpu.memory_space<vmem>> -> memref<32x96xf32, #tpu.memory_space<vmem>>
      %parallel_loop3A_218 = arith.constant 12 : i32
      %parallel_loop3A_219 = arith.constant 0 : i32
      %parallel_loop3A_220 = tpu.memref_slice %parallel_loop3A_217[%parallel_loop3A_218, %parallel_loop3A_219] : memref<32x96xf32, #tpu.memory_space<vmem>> -> memref<1x96xf32, #tpu.memory_space<vmem>>
      %parallel_loop3A_221 = arith.constant 0 : i32
      %parallel_loop3A_222 = tpu.memref_slice %arg3[%parallel_loop3A_208, %parallel_loop3A_221] : memref<1000000x96xf32, #tpu.memory_space<hbm>> -> memref<1x96xf32, #tpu.memory_space<hbm>>
      tpu.enqueue_dma source(%parallel_loop3A_222 : memref<1x96xf32, #tpu.memory_space<hbm>>) target(%parallel_loop3A_220 : memref<1x96xf32, #tpu.memory_space<vmem>>) target_semaphore(%arg7 : memref<!tpu.dma_semaphore, #tpu.memory_space<semaphore_mem>>)
      %parallel_loop3A_223 = vector.extract_strided_slice %parallel_loop3A_14 {offsets = [13], sizes = [1], strides = [1]} : vector<32xi32> to vector<1xi32>
      %parallel_loop3A_224 = vector.extract %parallel_loop3A_223[0] : i32 from vector<1xi32>
      %parallel_loop3A_225 = arith.constant 0 : i32
      %parallel_loop3A_226 = tpu.memref_slice %arg6[%parallel_loop3A_11, %parallel_loop3A_225] : memref<512x96xf32, #tpu.memory_space<vmem>> -> memref<32x96xf32, #tpu.memory_space<vmem>>
      %parallel_loop3A_227 = arith.constant 13 : i32
      %parallel_loop3A_228 = arith.constant 0 : i32
      %parallel_loop3A_229 = tpu.memref_slice %parallel_loop3A_226[%parallel_loop3A_227, %parallel_loop3A_228] : memref<32x96xf32, #tpu.memory_space<vmem>> -> memref<1x96xf32, #tpu.memory_space<vmem>>
      %parallel_loop3A_230 = arith.constant 0 : i32
      %parallel_loop3A_231 = tpu.memref_slice %arg3[%parallel_loop3A_224, %parallel_loop3A_230] : memref<1000000x96xf32, #tpu.memory_space<hbm>> -> memref<1x96xf32, #tpu.memory_space<hbm>>
      %parallel_loop3A_232 = arith.constant 0 : i32
      %parallel_loop3A_233 = tpu.memref_slice %arg6[%parallel_loop3A_11, %parallel_loop3A_232] : memref<512x96xf32, #tpu.memory_space<vmem>> -> memref<32x96xf32, #tpu.memory_space<vmem>>
      %parallel_loop3A_234 = arith.constant 13 : i32
      %parallel_loop3A_235 = arith.constant 0 : i32
      %parallel_loop3A_236 = tpu.memref_slice %parallel_loop3A_233[%parallel_loop3A_234, %parallel_loop3A_235] : memref<32x96xf32, #tpu.memory_space<vmem>> -> memref<1x96xf32, #tpu.memory_space<vmem>>
      %parallel_loop3A_237 = arith.constant 0 : i32
      %parallel_loop3A_238 = tpu.memref_slice %arg3[%parallel_loop3A_224, %parallel_loop3A_237] : memref<1000000x96xf32, #tpu.memory_space<hbm>> -> memref<1x96xf32, #tpu.memory_space<hbm>>
      tpu.enqueue_dma source(%parallel_loop3A_238 : memref<1x96xf32, #tpu.memory_space<hbm>>) target(%parallel_loop3A_236 : memref<1x96xf32, #tpu.memory_space<vmem>>) target_semaphore(%arg7 : memref<!tpu.dma_semaphore, #tpu.memory_space<semaphore_mem>>)
      %parallel_loop3A_239 = vector.extract_strided_slice %parallel_loop3A_14 {offsets = [14], sizes = [1], strides = [1]} : vector<32xi32> to vector<1xi32>
      %parallel_loop3A_240 = vector.extract %parallel_loop3A_239[0] : i32 from vector<1xi32>
      %parallel_loop3A_241 = arith.constant 0 : i32
      %parallel_loop3A_242 = tpu.memref_slice %arg6[%parallel_loop3A_11, %parallel_loop3A_241] : memref<512x96xf32, #tpu.memory_space<vmem>> -> memref<32x96xf32, #tpu.memory_space<vmem>>
      %parallel_loop3A_243 = arith.constant 14 : i32
      %parallel_loop3A_244 = arith.constant 0 : i32
      %parallel_loop3A_245 = tpu.memref_slice %parallel_loop3A_242[%parallel_loop3A_243, %parallel_loop3A_244] : memref<32x96xf32, #tpu.memory_space<vmem>> -> memref<1x96xf32, #tpu.memory_space<vmem>>
      %parallel_loop3A_246 = arith.constant 0 : i32
      %parallel_loop3A_247 = tpu.memref_slice %arg3[%parallel_loop3A_240, %parallel_loop3A_246] : memref<1000000x96xf32, #tpu.memory_space<hbm>> -> memref<1x96xf32, #tpu.memory_space<hbm>>
      %parallel_loop3A_248 = arith.constant 0 : i32
      %parallel_loop3A_249 = tpu.memref_slice %arg6[%parallel_loop3A_11, %parallel_loop3A_248] : memref<512x96xf32, #tpu.memory_space<vmem>> -> memref<32x96xf32, #tpu.memory_space<vmem>>
      %parallel_loop3A_250 = arith.constant 14 : i32
      %parallel_loop3A_251 = arith.constant 0 : i32
      %parallel_loop3A_252 = tpu.memref_slice %parallel_loop3A_249[%parallel_loop3A_250, %parallel_loop3A_251] : memref<32x96xf32, #tpu.memory_space<vmem>> -> memref<1x96xf32, #tpu.memory_space<vmem>>
      %parallel_loop3A_253 = arith.constant 0 : i32
      %parallel_loop3A_254 = tpu.memref_slice %arg3[%parallel_loop3A_240, %parallel_loop3A_253] : memref<1000000x96xf32, #tpu.memory_space<hbm>> -> memref<1x96xf32, #tpu.memory_space<hbm>>
      tpu.enqueue_dma source(%parallel_loop3A_254 : memref<1x96xf32, #tpu.memory_space<hbm>>) target(%parallel_loop3A_252 : memref<1x96xf32, #tpu.memory_space<vmem>>) target_semaphore(%arg7 : memref<!tpu.dma_semaphore, #tpu.memory_space<semaphore_mem>>)
      %parallel_loop3A_255 = vector.extract_strided_slice %parallel_loop3A_14 {offsets = [15], sizes = [1], strides = [1]} : vector<32xi32> to vector<1xi32>
      %parallel_loop3A_256 = vector.extract %parallel_loop3A_255[0] : i32 from vector<1xi32>
      %parallel_loop3A_257 = arith.constant 0 : i32
      %parallel_loop3A_258 = tpu.memref_slice %arg6[%parallel_loop3A_11, %parallel_loop3A_257] : memref<512x96xf32, #tpu.memory_space<vmem>> -> memref<32x96xf32, #tpu.memory_space<vmem>>
      %parallel_loop3A_259 = arith.constant 15 : i32
      %parallel_loop3A_260 = arith.constant 0 : i32
      %parallel_loop3A_261 = tpu.memref_slice %parallel_loop3A_258[%parallel_loop3A_259, %parallel_loop3A_260] : memref<32x96xf32, #tpu.memory_space<vmem>> -> memref<1x96xf32, #tpu.memory_space<vmem>>
      %parallel_loop3A_262 = arith.constant 0 : i32
      %parallel_loop3A_263 = tpu.memref_slice %arg3[%parallel_loop3A_256, %parallel_loop3A_262] : memref<1000000x96xf32, #tpu.memory_space<hbm>> -> memref<1x96xf32, #tpu.memory_space<hbm>>
      %parallel_loop3A_264 = arith.constant 0 : i32
      %parallel_loop3A_265 = tpu.memref_slice %arg6[%parallel_loop3A_11, %parallel_loop3A_264] : memref<512x96xf32, #tpu.memory_space<vmem>> -> memref<32x96xf32, #tpu.memory_space<vmem>>
      %parallel_loop3A_266 = arith.constant 15 : i32
      %parallel_loop3A_267 = arith.constant 0 : i32
      %parallel_loop3A_268 = tpu.memref_slice %parallel_loop3A_265[%parallel_loop3A_266, %parallel_loop3A_267] : memref<32x96xf32, #tpu.memory_space<vmem>> -> memref<1x96xf32, #tpu.memory_space<vmem>>
      %parallel_loop3A_269 = arith.constant 0 : i32
      %parallel_loop3A_270 = tpu.memref_slice %arg3[%parallel_loop3A_256, %parallel_loop3A_269] : memref<1000000x96xf32, #tpu.memory_space<hbm>> -> memref<1x96xf32, #tpu.memory_space<hbm>>
      tpu.enqueue_dma source(%parallel_loop3A_270 : memref<1x96xf32, #tpu.memory_space<hbm>>) target(%parallel_loop3A_268 : memref<1x96xf32, #tpu.memory_space<vmem>>) target_semaphore(%arg7 : memref<!tpu.dma_semaphore, #tpu.memory_space<semaphore_mem>>)
      %parallel_loop3A_271 = vector.extract_strided_slice %parallel_loop3A_14 {offsets = [16], sizes = [1], strides = [1]} : vector<32xi32> to vector<1xi32>
      %parallel_loop3A_272 = vector.extract %parallel_loop3A_271[0] : i32 from vector<1xi32>
      %parallel_loop3A_273 = arith.constant 0 : i32
      %parallel_loop3A_274 = tpu.memref_slice %arg6[%parallel_loop3A_11, %parallel_loop3A_273] : memref<512x96xf32, #tpu.memory_space<vmem>> -> memref<32x96xf32, #tpu.memory_space<vmem>>
      %parallel_loop3A_275 = arith.constant 16 : i32
      %parallel_loop3A_276 = arith.constant 0 : i32
      %parallel_loop3A_277 = tpu.memref_slice %parallel_loop3A_274[%parallel_loop3A_275, %parallel_loop3A_276] : memref<32x96xf32, #tpu.memory_space<vmem>> -> memref<1x96xf32, #tpu.memory_space<vmem>>
      %parallel_loop3A_278 = arith.constant 0 : i32
      %parallel_loop3A_279 = tpu.memref_slice %arg3[%parallel_loop3A_272, %parallel_loop3A_278] : memref<1000000x96xf32, #tpu.memory_space<hbm>> -> memref<1x96xf32, #tpu.memory_space<hbm>>
      %parallel_loop3A_280 = arith.constant 0 : i32
      %parallel_loop3A_281 = tpu.memref_slice %arg6[%parallel_loop3A_11, %parallel_loop3A_280] : memref<512x96xf32, #tpu.memory_space<vmem>> -> memref<32x96xf32, #tpu.memory_space<vmem>>
      %parallel_loop3A_282 = arith.constant 16 : i32
      %parallel_loop3A_283 = arith.constant 0 : i32
      %parallel_loop3A_284 = tpu.memref_slice %parallel_loop3A_281[%parallel_loop3A_282, %parallel_loop3A_283] : memref<32x96xf32, #tpu.memory_space<vmem>> -> memref<1x96xf32, #tpu.memory_space<vmem>>
      %parallel_loop3A_285 = arith.constant 0 : i32
      %parallel_loop3A_286 = tpu.memref_slice %arg3[%parallel_loop3A_272, %parallel_loop3A_285] : memref<1000000x96xf32, #tpu.memory_space<hbm>> -> memref<1x96xf32, #tpu.memory_space<hbm>>
      tpu.enqueue_dma source(%parallel_loop3A_286 : memref<1x96xf32, #tpu.memory_space<hbm>>) target(%parallel_loop3A_284 : memref<1x96xf32, #tpu.memory_space<vmem>>) target_semaphore(%arg7 : memref<!tpu.dma_semaphore, #tpu.memory_space<semaphore_mem>>)
      %parallel_loop3A_287 = vector.extract_strided_slice %parallel_loop3A_14 {offsets = [17], sizes = [1], strides = [1]} : vector<32xi32> to vector<1xi32>
      %parallel_loop3A_288 = vector.extract %parallel_loop3A_287[0] : i32 from vector<1xi32>
      %parallel_loop3A_289 = arith.constant 0 : i32
      %parallel_loop3A_290 = tpu.memref_slice %arg6[%parallel_loop3A_11, %parallel_loop3A_289] : memref<512x96xf32, #tpu.memory_space<vmem>> -> memref<32x96xf32, #tpu.memory_space<vmem>>
      %parallel_loop3A_291 = arith.constant 17 : i32
      %parallel_loop3A_292 = arith.constant 0 : i32
      %parallel_loop3A_293 = tpu.memref_slice %parallel_loop3A_290[%parallel_loop3A_291, %parallel_loop3A_292] : memref<32x96xf32, #tpu.memory_space<vmem>> -> memref<1x96xf32, #tpu.memory_space<vmem>>
      %parallel_loop3A_294 = arith.constant 0 : i32
      %parallel_loop3A_295 = tpu.memref_slice %arg3[%parallel_loop3A_288, %parallel_loop3A_294] : memref<1000000x96xf32, #tpu.memory_space<hbm>> -> memref<1x96xf32, #tpu.memory_space<hbm>>
      %parallel_loop3A_296 = arith.constant 0 : i32
      %parallel_loop3A_297 = tpu.memref_slice %arg6[%parallel_loop3A_11, %parallel_loop3A_296] : memref<512x96xf32, #tpu.memory_space<vmem>> -> memref<32x96xf32, #tpu.memory_space<vmem>>
      %parallel_loop3A_298 = arith.constant 17 : i32
      %parallel_loop3A_299 = arith.constant 0 : i32
      %parallel_loop3A_300 = tpu.memref_slice %parallel_loop3A_297[%parallel_loop3A_298, %parallel_loop3A_299] : memref<32x96xf32, #tpu.memory_space<vmem>> -> memref<1x96xf32, #tpu.memory_space<vmem>>
      %parallel_loop3A_301 = arith.constant 0 : i32
      %parallel_loop3A_302 = tpu.memref_slice %arg3[%parallel_loop3A_288, %parallel_loop3A_301] : memref<1000000x96xf32, #tpu.memory_space<hbm>> -> memref<1x96xf32, #tpu.memory_space<hbm>>
      tpu.enqueue_dma source(%parallel_loop3A_302 : memref<1x96xf32, #tpu.memory_space<hbm>>) target(%parallel_loop3A_300 : memref<1x96xf32, #tpu.memory_space<vmem>>) target_semaphore(%arg7 : memref<!tpu.dma_semaphore, #tpu.memory_space<semaphore_mem>>)
      %parallel_loop3A_303 = vector.extract_strided_slice %parallel_loop3A_14 {offsets = [18], sizes = [1], strides = [1]} : vector<32xi32> to vector<1xi32>
      %parallel_loop3A_304 = vector.extract %parallel_loop3A_303[0] : i32 from vector<1xi32>
      %parallel_loop3A_305 = arith.constant 0 : i32
      %parallel_loop3A_306 = tpu.memref_slice %arg6[%parallel_loop3A_11, %parallel_loop3A_305] : memref<512x96xf32, #tpu.memory_space<vmem>> -> memref<32x96xf32, #tpu.memory_space<vmem>>
      %parallel_loop3A_307 = arith.constant 18 : i32
      %parallel_loop3A_308 = arith.constant 0 : i32
      %parallel_loop3A_309 = tpu.memref_slice %parallel_loop3A_306[%parallel_loop3A_307, %parallel_loop3A_308] : memref<32x96xf32, #tpu.memory_space<vmem>> -> memref<1x96xf32, #tpu.memory_space<vmem>>
      %parallel_loop3A_310 = arith.constant 0 : i32
      %parallel_loop3A_311 = tpu.memref_slice %arg3[%parallel_loop3A_304, %parallel_loop3A_310] : memref<1000000x96xf32, #tpu.memory_space<hbm>> -> memref<1x96xf32, #tpu.memory_space<hbm>>
      %parallel_loop3A_312 = arith.constant 0 : i32
      %parallel_loop3A_313 = tpu.memref_slice %arg6[%parallel_loop3A_11, %parallel_loop3A_312] : memref<512x96xf32, #tpu.memory_space<vmem>> -> memref<32x96xf32, #tpu.memory_space<vmem>>
      %parallel_loop3A_314 = arith.constant 18 : i32
      %parallel_loop3A_315 = arith.constant 0 : i32
      %parallel_loop3A_316 = tpu.memref_slice %parallel_loop3A_313[%parallel_loop3A_314, %parallel_loop3A_315] : memref<32x96xf32, #tpu.memory_space<vmem>> -> memref<1x96xf32, #tpu.memory_space<vmem>>
      %parallel_loop3A_317 = arith.constant 0 : i32
      %parallel_loop3A_318 = tpu.memref_slice %arg3[%parallel_loop3A_304, %parallel_loop3A_317] : memref<1000000x96xf32, #tpu.memory_space<hbm>> -> memref<1x96xf32, #tpu.memory_space<hbm>>
      tpu.enqueue_dma source(%parallel_loop3A_318 : memref<1x96xf32, #tpu.memory_space<hbm>>) target(%parallel_loop3A_316 : memref<1x96xf32, #tpu.memory_space<vmem>>) target_semaphore(%arg7 : memref<!tpu.dma_semaphore, #tpu.memory_space<semaphore_mem>>)
      %parallel_loop3A_319 = vector.extract_strided_slice %parallel_loop3A_14 {offsets = [19], sizes = [1], strides = [1]} : vector<32xi32> to vector<1xi32>
      %parallel_loop3A_320 = vector.extract %parallel_loop3A_319[0] : i32 from vector<1xi32>
      %parallel_loop3A_321 = arith.constant 0 : i32
      %parallel_loop3A_322 = tpu.memref_slice %arg6[%parallel_loop3A_11, %parallel_loop3A_321] : memref<512x96xf32, #tpu.memory_space<vmem>> -> memref<32x96xf32, #tpu.memory_space<vmem>>
      %parallel_loop3A_323 = arith.constant 19 : i32
      %parallel_loop3A_324 = arith.constant 0 : i32
      %parallel_loop3A_325 = tpu.memref_slice %parallel_loop3A_322[%parallel_loop3A_323, %parallel_loop3A_324] : memref<32x96xf32, #tpu.memory_space<vmem>> -> memref<1x96xf32, #tpu.memory_space<vmem>>
      %parallel_loop3A_326 = arith.constant 0 : i32
      %parallel_loop3A_327 = tpu.memref_slice %arg3[%parallel_loop3A_320, %parallel_loop3A_326] : memref<1000000x96xf32, #tpu.memory_space<hbm>> -> memref<1x96xf32, #tpu.memory_space<hbm>>
      %parallel_loop3A_328 = arith.constant 0 : i32
      %parallel_loop3A_329 = tpu.memref_slice %arg6[%parallel_loop3A_11, %parallel_loop3A_328] : memref<512x96xf32, #tpu.memory_space<vmem>> -> memref<32x96xf32, #tpu.memory_space<vmem>>
      %parallel_loop3A_330 = arith.constant 19 : i32
      %parallel_loop3A_331 = arith.constant 0 : i32
      %parallel_loop3A_332 = tpu.memref_slice %parallel_loop3A_329[%parallel_loop3A_330, %parallel_loop3A_331] : memref<32x96xf32, #tpu.memory_space<vmem>> -> memref<1x96xf32, #tpu.memory_space<vmem>>
      %parallel_loop3A_333 = arith.constant 0 : i32
      %parallel_loop3A_334 = tpu.memref_slice %arg3[%parallel_loop3A_320, %parallel_loop3A_333] : memref<1000000x96xf32, #tpu.memory_space<hbm>> -> memref<1x96xf32, #tpu.memory_space<hbm>>
      tpu.enqueue_dma source(%parallel_loop3A_334 : memref<1x96xf32, #tpu.memory_space<hbm>>) target(%parallel_loop3A_332 : memref<1x96xf32, #tpu.memory_space<vmem>>) target_semaphore(%arg7 : memref<!tpu.dma_semaphore, #tpu.memory_space<semaphore_mem>>)
      %parallel_loop3A_335 = vector.extract_strided_slice %parallel_loop3A_14 {offsets = [20], sizes = [1], strides = [1]} : vector<32xi32> to vector<1xi32>
      %parallel_loop3A_336 = vector.extract %parallel_loop3A_335[0] : i32 from vector<1xi32>
      %parallel_loop3A_337 = arith.constant 0 : i32
      %parallel_loop3A_338 = tpu.memref_slice %arg6[%parallel_loop3A_11, %parallel_loop3A_337] : memref<512x96xf32, #tpu.memory_space<vmem>> -> memref<32x96xf32, #tpu.memory_space<vmem>>
      %parallel_loop3A_339 = arith.constant 20 : i32
      %parallel_loop3A_340 = arith.constant 0 : i32
      %parallel_loop3A_341 = tpu.memref_slice %parallel_loop3A_338[%parallel_loop3A_339, %parallel_loop3A_340] : memref<32x96xf32, #tpu.memory_space<vmem>> -> memref<1x96xf32, #tpu.memory_space<vmem>>
      %parallel_loop3A_342 = arith.constant 0 : i32
      %parallel_loop3A_343 = tpu.memref_slice %arg3[%parallel_loop3A_336, %parallel_loop3A_342] : memref<1000000x96xf32, #tpu.memory_space<hbm>> -> memref<1x96xf32, #tpu.memory_space<hbm>>
      %parallel_loop3A_344 = arith.constant 0 : i32
      %parallel_loop3A_345 = tpu.memref_slice %arg6[%parallel_loop3A_11, %parallel_loop3A_344] : memref<512x96xf32, #tpu.memory_space<vmem>> -> memref<32x96xf32, #tpu.memory_space<vmem>>
      %parallel_loop3A_346 = arith.constant 20 : i32
      %parallel_loop3A_347 = arith.constant 0 : i32
      %parallel_loop3A_348 = tpu.memref_slice %parallel_loop3A_345[%parallel_loop3A_346, %parallel_loop3A_347] : memref<32x96xf32, #tpu.memory_space<vmem>> -> memref<1x96xf32, #tpu.memory_space<vmem>>
      %parallel_loop3A_349 = arith.constant 0 : i32
      %parallel_loop3A_350 = tpu.memref_slice %arg3[%parallel_loop3A_336, %parallel_loop3A_349] : memref<1000000x96xf32, #tpu.memory_space<hbm>> -> memref<1x96xf32, #tpu.memory_space<hbm>>
      tpu.enqueue_dma source(%parallel_loop3A_350 : memref<1x96xf32, #tpu.memory_space<hbm>>) target(%parallel_loop3A_348 : memref<1x96xf32, #tpu.memory_space<vmem>>) target_semaphore(%arg7 : memref<!tpu.dma_semaphore, #tpu.memory_space<semaphore_mem>>)
      %parallel_loop3A_351 = vector.extract_strided_slice %parallel_loop3A_14 {offsets = [21], sizes = [1], strides = [1]} : vector<32xi32> to vector<1xi32>
      %parallel_loop3A_352 = vector.extract %parallel_loop3A_351[0] : i32 from vector<1xi32>
      %parallel_loop3A_353 = arith.constant 0 : i32
      %parallel_loop3A_354 = tpu.memref_slice %arg6[%parallel_loop3A_11, %parallel_loop3A_353] : memref<512x96xf32, #tpu.memory_space<vmem>> -> memref<32x96xf32, #tpu.memory_space<vmem>>
      %parallel_loop3A_355 = arith.constant 21 : i32
      %parallel_loop3A_356 = arith.constant 0 : i32
      %parallel_loop3A_357 = tpu.memref_slice %parallel_loop3A_354[%parallel_loop3A_355, %parallel_loop3A_356] : memref<32x96xf32, #tpu.memory_space<vmem>> -> memref<1x96xf32, #tpu.memory_space<vmem>>
      %parallel_loop3A_358 = arith.constant 0 : i32
      %parallel_loop3A_359 = tpu.memref_slice %arg3[%parallel_loop3A_352, %parallel_loop3A_358] : memref<1000000x96xf32, #tpu.memory_space<hbm>> -> memref<1x96xf32, #tpu.memory_space<hbm>>
      %parallel_loop3A_360 = arith.constant 0 : i32
      %parallel_loop3A_361 = tpu.memref_slice %arg6[%parallel_loop3A_11, %parallel_loop3A_360] : memref<512x96xf32, #tpu.memory_space<vmem>> -> memref<32x96xf32, #tpu.memory_space<vmem>>
      %parallel_loop3A_362 = arith.constant 21 : i32
      %parallel_loop3A_363 = arith.constant 0 : i32
      %parallel_loop3A_364 = tpu.memref_slice %parallel_loop3A_361[%parallel_loop3A_362, %parallel_loop3A_363] : memref<32x96xf32, #tpu.memory_space<vmem>> -> memref<1x96xf32, #tpu.memory_space<vmem>>
      %parallel_loop3A_365 = arith.constant 0 : i32
      %parallel_loop3A_366 = tpu.memref_slice %arg3[%parallel_loop3A_352, %parallel_loop3A_365] : memref<1000000x96xf32, #tpu.memory_space<hbm>> -> memref<1x96xf32, #tpu.memory_space<hbm>>
      tpu.enqueue_dma source(%parallel_loop3A_366 : memref<1x96xf32, #tpu.memory_space<hbm>>) target(%parallel_loop3A_364 : memref<1x96xf32, #tpu.memory_space<vmem>>) target_semaphore(%arg7 : memref<!tpu.dma_semaphore, #tpu.memory_space<semaphore_mem>>)
      %parallel_loop3A_367 = vector.extract_strided_slice %parallel_loop3A_14 {offsets = [22], sizes = [1], strides = [1]} : vector<32xi32> to vector<1xi32>
      %parallel_loop3A_368 = vector.extract %parallel_loop3A_367[0] : i32 from vector<1xi32>
      %parallel_loop3A_369 = arith.constant 0 : i32
      %parallel_loop3A_370 = tpu.memref_slice %arg6[%parallel_loop3A_11, %parallel_loop3A_369] : memref<512x96xf32, #tpu.memory_space<vmem>> -> memref<32x96xf32, #tpu.memory_space<vmem>>
      %parallel_loop3A_371 = arith.constant 22 : i32
      %parallel_loop3A_372 = arith.constant 0 : i32
      %parallel_loop3A_373 = tpu.memref_slice %parallel_loop3A_370[%parallel_loop3A_371, %parallel_loop3A_372] : memref<32x96xf32, #tpu.memory_space<vmem>> -> memref<1x96xf32, #tpu.memory_space<vmem>>
      %parallel_loop3A_374 = arith.constant 0 : i32
      %parallel_loop3A_375 = tpu.memref_slice %arg3[%parallel_loop3A_368, %parallel_loop3A_374] : memref<1000000x96xf32, #tpu.memory_space<hbm>> -> memref<1x96xf32, #tpu.memory_space<hbm>>
      %parallel_loop3A_376 = arith.constant 0 : i32
      %parallel_loop3A_377 = tpu.memref_slice %arg6[%parallel_loop3A_11, %parallel_loop3A_376] : memref<512x96xf32, #tpu.memory_space<vmem>> -> memref<32x96xf32, #tpu.memory_space<vmem>>
      %parallel_loop3A_378 = arith.constant 22 : i32
      %parallel_loop3A_379 = arith.constant 0 : i32
      %parallel_loop3A_380 = tpu.memref_slice %parallel_loop3A_377[%parallel_loop3A_378, %parallel_loop3A_379] : memref<32x96xf32, #tpu.memory_space<vmem>> -> memref<1x96xf32, #tpu.memory_space<vmem>>
      %parallel_loop3A_381 = arith.constant 0 : i32
      %parallel_loop3A_382 = tpu.memref_slice %arg3[%parallel_loop3A_368, %parallel_loop3A_381] : memref<1000000x96xf32, #tpu.memory_space<hbm>> -> memref<1x96xf32, #tpu.memory_space<hbm>>
      tpu.enqueue_dma source(%parallel_loop3A_382 : memref<1x96xf32, #tpu.memory_space<hbm>>) target(%parallel_loop3A_380 : memref<1x96xf32, #tpu.memory_space<vmem>>) target_semaphore(%arg7 : memref<!tpu.dma_semaphore, #tpu.memory_space<semaphore_mem>>)
      %parallel_loop3A_383 = vector.extract_strided_slice %parallel_loop3A_14 {offsets = [23], sizes = [1], strides = [1]} : vector<32xi32> to vector<1xi32>
      %parallel_loop3A_384 = vector.extract %parallel_loop3A_383[0] : i32 from vector<1xi32>
      %parallel_loop3A_385 = arith.constant 0 : i32
      %parallel_loop3A_386 = tpu.memref_slice %arg6[%parallel_loop3A_11, %parallel_loop3A_385] : memref<512x96xf32, #tpu.memory_space<vmem>> -> memref<32x96xf32, #tpu.memory_space<vmem>>
      %parallel_loop3A_387 = arith.constant 23 : i32
      %parallel_loop3A_388 = arith.constant 0 : i32
      %parallel_loop3A_389 = tpu.memref_slice %parallel_loop3A_386[%parallel_loop3A_387, %parallel_loop3A_388] : memref<32x96xf32, #tpu.memory_space<vmem>> -> memref<1x96xf32, #tpu.memory_space<vmem>>
      %parallel_loop3A_390 = arith.constant 0 : i32
      %parallel_loop3A_391 = tpu.memref_slice %arg3[%parallel_loop3A_384, %parallel_loop3A_390] : memref<1000000x96xf32, #tpu.memory_space<hbm>> -> memref<1x96xf32, #tpu.memory_space<hbm>>
      %parallel_loop3A_392 = arith.constant 0 : i32
      %parallel_loop3A_393 = tpu.memref_slice %arg6[%parallel_loop3A_11, %parallel_loop3A_392] : memref<512x96xf32, #tpu.memory_space<vmem>> -> memref<32x96xf32, #tpu.memory_space<vmem>>
      %parallel_loop3A_394 = arith.constant 23 : i32
      %parallel_loop3A_395 = arith.constant 0 : i32
      %parallel_loop3A_396 = tpu.memref_slice %parallel_loop3A_393[%parallel_loop3A_394, %parallel_loop3A_395] : memref<32x96xf32, #tpu.memory_space<vmem>> -> memref<1x96xf32, #tpu.memory_space<vmem>>
      %parallel_loop3A_397 = arith.constant 0 : i32
      %parallel_loop3A_398 = tpu.memref_slice %arg3[%parallel_loop3A_384, %parallel_loop3A_397] : memref<1000000x96xf32, #tpu.memory_space<hbm>> -> memref<1x96xf32, #tpu.memory_space<hbm>>
      tpu.enqueue_dma source(%parallel_loop3A_398 : memref<1x96xf32, #tpu.memory_space<hbm>>) target(%parallel_loop3A_396 : memref<1x96xf32, #tpu.memory_space<vmem>>) target_semaphore(%arg7 : memref<!tpu.dma_semaphore, #tpu.memory_space<semaphore_mem>>)
      %parallel_loop3A_399 = vector.extract_strided_slice %parallel_loop3A_14 {offsets = [24], sizes = [1], strides = [1]} : vector<32xi32> to vector<1xi32>
      %parallel_loop3A_400 = vector.extract %parallel_loop3A_399[0] : i32 from vector<1xi32>
      %parallel_loop3A_401 = arith.constant 0 : i32
      %parallel_loop3A_402 = tpu.memref_slice %arg6[%parallel_loop3A_11, %parallel_loop3A_401] : memref<512x96xf32, #tpu.memory_space<vmem>> -> memref<32x96xf32, #tpu.memory_space<vmem>>
      %parallel_loop3A_403 = arith.constant 24 : i32
      %parallel_loop3A_404 = arith.constant 0 : i32
      %parallel_loop3A_405 = tpu.memref_slice %parallel_loop3A_402[%parallel_loop3A_403, %parallel_loop3A_404] : memref<32x96xf32, #tpu.memory_space<vmem>> -> memref<1x96xf32, #tpu.memory_space<vmem>>
      %parallel_loop3A_406 = arith.constant 0 : i32
      %parallel_loop3A_407 = tpu.memref_slice %arg3[%parallel_loop3A_400, %parallel_loop3A_406] : memref<1000000x96xf32, #tpu.memory_space<hbm>> -> memref<1x96xf32, #tpu.memory_space<hbm>>
      %parallel_loop3A_408 = arith.constant 0 : i32
      %parallel_loop3A_409 = tpu.memref_slice %arg6[%parallel_loop3A_11, %parallel_loop3A_408] : memref<512x96xf32, #tpu.memory_space<vmem>> -> memref<32x96xf32, #tpu.memory_space<vmem>>
      %parallel_loop3A_410 = arith.constant 24 : i32
      %parallel_loop3A_411 = arith.constant 0 : i32
      %parallel_loop3A_412 = tpu.memref_slice %parallel_loop3A_409[%parallel_loop3A_410, %parallel_loop3A_411] : memref<32x96xf32, #tpu.memory_space<vmem>> -> memref<1x96xf32, #tpu.memory_space<vmem>>
      %parallel_loop3A_413 = arith.constant 0 : i32
      %parallel_loop3A_414 = tpu.memref_slice %arg3[%parallel_loop3A_400, %parallel_loop3A_413] : memref<1000000x96xf32, #tpu.memory_space<hbm>> -> memref<1x96xf32, #tpu.memory_space<hbm>>
      tpu.enqueue_dma source(%parallel_loop3A_414 : memref<1x96xf32, #tpu.memory_space<hbm>>) target(%parallel_loop3A_412 : memref<1x96xf32, #tpu.memory_space<vmem>>) target_semaphore(%arg7 : memref<!tpu.dma_semaphore, #tpu.memory_space<semaphore_mem>>)
      %parallel_loop3A_415 = vector.extract_strided_slice %parallel_loop3A_14 {offsets = [25], sizes = [1], strides = [1]} : vector<32xi32> to vector<1xi32>
      %parallel_loop3A_416 = vector.extract %parallel_loop3A_415[0] : i32 from vector<1xi32>
      %parallel_loop3A_417 = arith.constant 0 : i32
      %parallel_loop3A_418 = tpu.memref_slice %arg6[%parallel_loop3A_11, %parallel_loop3A_417] : memref<512x96xf32, #tpu.memory_space<vmem>> -> memref<32x96xf32, #tpu.memory_space<vmem>>
      %parallel_loop3A_419 = arith.constant 25 : i32
      %parallel_loop3A_420 = arith.constant 0 : i32
      %parallel_loop3A_421 = tpu.memref_slice %parallel_loop3A_418[%parallel_loop3A_419, %parallel_loop3A_420] : memref<32x96xf32, #tpu.memory_space<vmem>> -> memref<1x96xf32, #tpu.memory_space<vmem>>
      %parallel_loop3A_422 = arith.constant 0 : i32
      %parallel_loop3A_423 = tpu.memref_slice %arg3[%parallel_loop3A_416, %parallel_loop3A_422] : memref<1000000x96xf32, #tpu.memory_space<hbm>> -> memref<1x96xf32, #tpu.memory_space<hbm>>
      %parallel_loop3A_424 = arith.constant 0 : i32
      %parallel_loop3A_425 = tpu.memref_slice %arg6[%parallel_loop3A_11, %parallel_loop3A_424] : memref<512x96xf32, #tpu.memory_space<vmem>> -> memref<32x96xf32, #tpu.memory_space<vmem>>
      %parallel_loop3A_426 = arith.constant 25 : i32
      %parallel_loop3A_427 = arith.constant 0 : i32
      %parallel_loop3A_428 = tpu.memref_slice %parallel_loop3A_425[%parallel_loop3A_426, %parallel_loop3A_427] : memref<32x96xf32, #tpu.memory_space<vmem>> -> memref<1x96xf32, #tpu.memory_space<vmem>>
      %parallel_loop3A_429 = arith.constant 0 : i32
      %parallel_loop3A_430 = tpu.memref_slice %arg3[%parallel_loop3A_416, %parallel_loop3A_429] : memref<1000000x96xf32, #tpu.memory_space<hbm>> -> memref<1x96xf32, #tpu.memory_space<hbm>>
      tpu.enqueue_dma source(%parallel_loop3A_430 : memref<1x96xf32, #tpu.memory_space<hbm>>) target(%parallel_loop3A_428 : memref<1x96xf32, #tpu.memory_space<vmem>>) target_semaphore(%arg7 : memref<!tpu.dma_semaphore, #tpu.memory_space<semaphore_mem>>)
      %parallel_loop3A_431 = vector.extract_strided_slice %parallel_loop3A_14 {offsets = [26], sizes = [1], strides = [1]} : vector<32xi32> to vector<1xi32>
      %parallel_loop3A_432 = vector.extract %parallel_loop3A_431[0] : i32 from vector<1xi32>
      %parallel_loop3A_433 = arith.constant 0 : i32
      %parallel_loop3A_434 = tpu.memref_slice %arg6[%parallel_loop3A_11, %parallel_loop3A_433] : memref<512x96xf32, #tpu.memory_space<vmem>> -> memref<32x96xf32, #tpu.memory_space<vmem>>
      %parallel_loop3A_435 = arith.constant 26 : i32
      %parallel_loop3A_436 = arith.constant 0 : i32
      %parallel_loop3A_437 = tpu.memref_slice %parallel_loop3A_434[%parallel_loop3A_435, %parallel_loop3A_436] : memref<32x96xf32, #tpu.memory_space<vmem>> -> memref<1x96xf32, #tpu.memory_space<vmem>>
      %parallel_loop3A_438 = arith.constant 0 : i32
      %parallel_loop3A_439 = tpu.memref_slice %arg3[%parallel_loop3A_432, %parallel_loop3A_438] : memref<1000000x96xf32, #tpu.memory_space<hbm>> -> memref<1x96xf32, #tpu.memory_space<hbm>>
      %parallel_loop3A_440 = arith.constant 0 : i32
      %parallel_loop3A_441 = tpu.memref_slice %arg6[%parallel_loop3A_11, %parallel_loop3A_440] : memref<512x96xf32, #tpu.memory_space<vmem>> -> memref<32x96xf32, #tpu.memory_space<vmem>>
      %parallel_loop3A_442 = arith.constant 26 : i32
      %parallel_loop3A_443 = arith.constant 0 : i32
      %parallel_loop3A_444 = tpu.memref_slice %parallel_loop3A_441[%parallel_loop3A_442, %parallel_loop3A_443] : memref<32x96xf32, #tpu.memory_space<vmem>> -> memref<1x96xf32, #tpu.memory_space<vmem>>
      %parallel_loop3A_445 = arith.constant 0 : i32
      %parallel_loop3A_446 = tpu.memref_slice %arg3[%parallel_loop3A_432, %parallel_loop3A_445] : memref<1000000x96xf32, #tpu.memory_space<hbm>> -> memref<1x96xf32, #tpu.memory_space<hbm>>
      tpu.enqueue_dma source(%parallel_loop3A_446 : memref<1x96xf32, #tpu.memory_space<hbm>>) target(%parallel_loop3A_444 : memref<1x96xf32, #tpu.memory_space<vmem>>) target_semaphore(%arg7 : memref<!tpu.dma_semaphore, #tpu.memory_space<semaphore_mem>>)
      %parallel_loop3A_447 = vector.extract_strided_slice %parallel_loop3A_14 {offsets = [27], sizes = [1], strides = [1]} : vector<32xi32> to vector<1xi32>
      %parallel_loop3A_448 = vector.extract %parallel_loop3A_447[0] : i32 from vector<1xi32>
      %parallel_loop3A_449 = arith.constant 0 : i32
      %parallel_loop3A_450 = tpu.memref_slice %arg6[%parallel_loop3A_11, %parallel_loop3A_449] : memref<512x96xf32, #tpu.memory_space<vmem>> -> memref<32x96xf32, #tpu.memory_space<vmem>>
      %parallel_loop3A_451 = arith.constant 27 : i32
      %parallel_loop3A_452 = arith.constant 0 : i32
      %parallel_loop3A_453 = tpu.memref_slice %parallel_loop3A_450[%parallel_loop3A_451, %parallel_loop3A_452] : memref<32x96xf32, #tpu.memory_space<vmem>> -> memref<1x96xf32, #tpu.memory_space<vmem>>
      %parallel_loop3A_454 = arith.constant 0 : i32
      %parallel_loop3A_455 = tpu.memref_slice %arg3[%parallel_loop3A_448, %parallel_loop3A_454] : memref<1000000x96xf32, #tpu.memory_space<hbm>> -> memref<1x96xf32, #tpu.memory_space<hbm>>
      %parallel_loop3A_456 = arith.constant 0 : i32
      %parallel_loop3A_457 = tpu.memref_slice %arg6[%parallel_loop3A_11, %parallel_loop3A_456] : memref<512x96xf32, #tpu.memory_space<vmem>> -> memref<32x96xf32, #tpu.memory_space<vmem>>
      %parallel_loop3A_458 = arith.constant 27 : i32
      %parallel_loop3A_459 = arith.constant 0 : i32
      %parallel_loop3A_460 = tpu.memref_slice %parallel_loop3A_457[%parallel_loop3A_458, %parallel_loop3A_459] : memref<32x96xf32, #tpu.memory_space<vmem>> -> memref<1x96xf32, #tpu.memory_space<vmem>>
      %parallel_loop3A_461 = arith.constant 0 : i32
      %parallel_loop3A_462 = tpu.memref_slice %arg3[%parallel_loop3A_448, %parallel_loop3A_461] : memref<1000000x96xf32, #tpu.memory_space<hbm>> -> memref<1x96xf32, #tpu.memory_space<hbm>>
      tpu.enqueue_dma source(%parallel_loop3A_462 : memref<1x96xf32, #tpu.memory_space<hbm>>) target(%parallel_loop3A_460 : memref<1x96xf32, #tpu.memory_space<vmem>>) target_semaphore(%arg7 : memref<!tpu.dma_semaphore, #tpu.memory_space<semaphore_mem>>)
      %parallel_loop3A_463 = vector.extract_strided_slice %parallel_loop3A_14 {offsets = [28], sizes = [1], strides = [1]} : vector<32xi32> to vector<1xi32>
      %parallel_loop3A_464 = vector.extract %parallel_loop3A_463[0] : i32 from vector<1xi32>
      %parallel_loop3A_465 = arith.constant 0 : i32
      %parallel_loop3A_466 = tpu.memref_slice %arg6[%parallel_loop3A_11, %parallel_loop3A_465] : memref<512x96xf32, #tpu.memory_space<vmem>> -> memref<32x96xf32, #tpu.memory_space<vmem>>
      %parallel_loop3A_467 = arith.constant 28 : i32
      %parallel_loop3A_468 = arith.constant 0 : i32
      %parallel_loop3A_469 = tpu.memref_slice %parallel_loop3A_466[%parallel_loop3A_467, %parallel_loop3A_468] : memref<32x96xf32, #tpu.memory_space<vmem>> -> memref<1x96xf32, #tpu.memory_space<vmem>>
      %parallel_loop3A_470 = arith.constant 0 : i32
      %parallel_loop3A_471 = tpu.memref_slice %arg3[%parallel_loop3A_464, %parallel_loop3A_470] : memref<1000000x96xf32, #tpu.memory_space<hbm>> -> memref<1x96xf32, #tpu.memory_space<hbm>>
      %parallel_loop3A_472 = arith.constant 0 : i32
      %parallel_loop3A_473 = tpu.memref_slice %arg6[%parallel_loop3A_11, %parallel_loop3A_472] : memref<512x96xf32, #tpu.memory_space<vmem>> -> memref<32x96xf32, #tpu.memory_space<vmem>>
      %parallel_loop3A_474 = arith.constant 28 : i32
      %parallel_loop3A_475 = arith.constant 0 : i32
      %parallel_loop3A_476 = tpu.memref_slice %parallel_loop3A_473[%parallel_loop3A_474, %parallel_loop3A_475] : memref<32x96xf32, #tpu.memory_space<vmem>> -> memref<1x96xf32, #tpu.memory_space<vmem>>
      %parallel_loop3A_477 = arith.constant 0 : i32
      %parallel_loop3A_478 = tpu.memref_slice %arg3[%parallel_loop3A_464, %parallel_loop3A_477] : memref<1000000x96xf32, #tpu.memory_space<hbm>> -> memref<1x96xf32, #tpu.memory_space<hbm>>
      tpu.enqueue_dma source(%parallel_loop3A_478 : memref<1x96xf32, #tpu.memory_space<hbm>>) target(%parallel_loop3A_476 : memref<1x96xf32, #tpu.memory_space<vmem>>) target_semaphore(%arg7 : memref<!tpu.dma_semaphore, #tpu.memory_space<semaphore_mem>>)
      %parallel_loop3A_479 = vector.extract_strided_slice %parallel_loop3A_14 {offsets = [29], sizes = [1], strides = [1]} : vector<32xi32> to vector<1xi32>
      %parallel_loop3A_480 = vector.extract %parallel_loop3A_479[0] : i32 from vector<1xi32>
      %parallel_loop3A_481 = arith.constant 0 : i32
      %parallel_loop3A_482 = tpu.memref_slice %arg6[%parallel_loop3A_11, %parallel_loop3A_481] : memref<512x96xf32, #tpu.memory_space<vmem>> -> memref<32x96xf32, #tpu.memory_space<vmem>>
      %parallel_loop3A_483 = arith.constant 29 : i32
      %parallel_loop3A_484 = arith.constant 0 : i32
      %parallel_loop3A_485 = tpu.memref_slice %parallel_loop3A_482[%parallel_loop3A_483, %parallel_loop3A_484] : memref<32x96xf32, #tpu.memory_space<vmem>> -> memref<1x96xf32, #tpu.memory_space<vmem>>
      %parallel_loop3A_486 = arith.constant 0 : i32
      %parallel_loop3A_487 = tpu.memref_slice %arg3[%parallel_loop3A_480, %parallel_loop3A_486] : memref<1000000x96xf32, #tpu.memory_space<hbm>> -> memref<1x96xf32, #tpu.memory_space<hbm>>
      %parallel_loop3A_488 = arith.constant 0 : i32
      %parallel_loop3A_489 = tpu.memref_slice %arg6[%parallel_loop3A_11, %parallel_loop3A_488] : memref<512x96xf32, #tpu.memory_space<vmem>> -> memref<32x96xf32, #tpu.memory_space<vmem>>
      %parallel_loop3A_490 = arith.constant 29 : i32
      %parallel_loop3A_491 = arith.constant 0 : i32
      %parallel_loop3A_492 = tpu.memref_slice %parallel_loop3A_489[%parallel_loop3A_490, %parallel_loop3A_491] : memref<32x96xf32, #tpu.memory_space<vmem>> -> memref<1x96xf32, #tpu.memory_space<vmem>>
      %parallel_loop3A_493 = arith.constant 0 : i32
      %parallel_loop3A_494 = tpu.memref_slice %arg3[%parallel_loop3A_480, %parallel_loop3A_493] : memref<1000000x96xf32, #tpu.memory_space<hbm>> -> memref<1x96xf32, #tpu.memory_space<hbm>>
      tpu.enqueue_dma source(%parallel_loop3A_494 : memref<1x96xf32, #tpu.memory_space<hbm>>) target(%parallel_loop3A_492 : memref<1x96xf32, #tpu.memory_space<vmem>>) target_semaphore(%arg7 : memref<!tpu.dma_semaphore, #tpu.memory_space<semaphore_mem>>)
      %parallel_loop3A_495 = vector.extract_strided_slice %parallel_loop3A_14 {offsets = [30], sizes = [1], strides = [1]} : vector<32xi32> to vector<1xi32>
      %parallel_loop3A_496 = vector.extract %parallel_loop3A_495[0] : i32 from vector<1xi32>
      %parallel_loop3A_497 = arith.constant 0 : i32
      %parallel_loop3A_498 = tpu.memref_slice %arg6[%parallel_loop3A_11, %parallel_loop3A_497] : memref<512x96xf32, #tpu.memory_space<vmem>> -> memref<32x96xf32, #tpu.memory_space<vmem>>
      %parallel_loop3A_499 = arith.constant 30 : i32
      %parallel_loop3A_500 = arith.constant 0 : i32
      %parallel_loop3A_501 = tpu.memref_slice %parallel_loop3A_498[%parallel_loop3A_499, %parallel_loop3A_500] : memref<32x96xf32, #tpu.memory_space<vmem>> -> memref<1x96xf32, #tpu.memory_space<vmem>>
      %parallel_loop3A_502 = arith.constant 0 : i32
      %parallel_loop3A_503 = tpu.memref_slice %arg3[%parallel_loop3A_496, %parallel_loop3A_502] : memref<1000000x96xf32, #tpu.memory_space<hbm>> -> memref<1x96xf32, #tpu.memory_space<hbm>>
      %parallel_loop3A_504 = arith.constant 0 : i32
      %parallel_loop3A_505 = tpu.memref_slice %arg6[%parallel_loop3A_11, %parallel_loop3A_504] : memref<512x96xf32, #tpu.memory_space<vmem>> -> memref<32x96xf32, #tpu.memory_space<vmem>>
      %parallel_loop3A_506 = arith.constant 30 : i32
      %parallel_loop3A_507 = arith.constant 0 : i32
      %parallel_loop3A_508 = tpu.memref_slice %parallel_loop3A_505[%parallel_loop3A_506, %parallel_loop3A_507] : memref<32x96xf32, #tpu.memory_space<vmem>> -> memref<1x96xf32, #tpu.memory_space<vmem>>
      %parallel_loop3A_509 = arith.constant 0 : i32
      %parallel_loop3A_510 = tpu.memref_slice %arg3[%parallel_loop3A_496, %parallel_loop3A_509] : memref<1000000x96xf32, #tpu.memory_space<hbm>> -> memref<1x96xf32, #tpu.memory_space<hbm>>
      tpu.enqueue_dma source(%parallel_loop3A_510 : memref<1x96xf32, #tpu.memory_space<hbm>>) target(%parallel_loop3A_508 : memref<1x96xf32, #tpu.memory_space<vmem>>) target_semaphore(%arg7 : memref<!tpu.dma_semaphore, #tpu.memory_space<semaphore_mem>>)
      %parallel_loop3A_511 = vector.extract_strided_slice %parallel_loop3A_14 {offsets = [31], sizes = [1], strides = [1]} : vector<32xi32> to vector<1xi32>
      %parallel_loop3A_512 = vector.extract %parallel_loop3A_511[0] : i32 from vector<1xi32>
      %parallel_loop3A_513 = arith.constant 0 : i32
      %parallel_loop3A_514 = tpu.memref_slice %arg6[%parallel_loop3A_11, %parallel_loop3A_513] : memref<512x96xf32, #tpu.memory_space<vmem>> -> memref<32x96xf32, #tpu.memory_space<vmem>>
      %parallel_loop3A_515 = arith.constant 31 : i32
      %parallel_loop3A_516 = arith.constant 0 : i32
      %parallel_loop3A_517 = tpu.memref_slice %parallel_loop3A_514[%parallel_loop3A_515, %parallel_loop3A_516] : memref<32x96xf32, #tpu.memory_space<vmem>> -> memref<1x96xf32, #tpu.memory_space<vmem>>
      %parallel_loop3A_518 = arith.constant 0 : i32
      %parallel_loop3A_519 = tpu.memref_slice %arg3[%parallel_loop3A_512, %parallel_loop3A_518] : memref<1000000x96xf32, #tpu.memory_space<hbm>> -> memref<1x96xf32, #tpu.memory_space<hbm>>
      %parallel_loop3A_520 = arith.constant 0 : i32
      %parallel_loop3A_521 = tpu.memref_slice %arg6[%parallel_loop3A_11, %parallel_loop3A_520] : memref<512x96xf32, #tpu.memory_space<vmem>> -> memref<32x96xf32, #tpu.memory_space<vmem>>
      %parallel_loop3A_522 = arith.constant 31 : i32
      %parallel_loop3A_523 = arith.constant 0 : i32
      %parallel_loop3A_524 = tpu.memref_slice %parallel_loop3A_521[%parallel_loop3A_522, %parallel_loop3A_523] : memref<32x96xf32, #tpu.memory_space<vmem>> -> memref<1x96xf32, #tpu.memory_space<vmem>>
      %parallel_loop3A_525 = arith.constant 0 : i32
      %parallel_loop3A_526 = tpu.memref_slice %arg3[%parallel_loop3A_512, %parallel_loop3A_525] : memref<1000000x96xf32, #tpu.memory_space<hbm>> -> memref<1x96xf32, #tpu.memory_space<hbm>>
      tpu.enqueue_dma source(%parallel_loop3A_526 : memref<1x96xf32, #tpu.memory_space<hbm>>) target(%parallel_loop3A_524 : memref<1x96xf32, #tpu.memory_space<vmem>>) target_semaphore(%arg7 : memref<!tpu.dma_semaphore, #tpu.memory_space<semaphore_mem>>)
    } {sc.loop_unroll_factor = 1 : i64, sc.parallel_access}
    "tpu.trace_stop"() : () -> ()
    "tpu.trace_start"() <{level = 10 : i32, message = "drain_gathers"}> : () -> ()
    %scan3A = arith.constant 0 : i32
    %scan3A_5 = arith.constant 16 : i32
    %scan3A_6 = arith.addi %scan3A, %scan3A_5 : i32
    %scan3A_7 = arith.constant 1 : i32
    scf.for %scan3A_9 = %scan3A to %scan3A_6 step %scan3A_7  : i32 {
      %mul3A_10 = arith.constant 1 : i32
      %mul3A_11 = arith.muli %scan3A_9, %mul3A_10 : i32
      %add3A_12 = arith.constant 0 : i32
      %add3A_13 = arith.addi %add3A_12, %mul3A_11 : i32
      %dma_wait3A = arith.constant 0 : i32
      %dma_wait3A_14 = arith.constant 0 : i32
      %dma_wait3A_15 = tpu.memref_slice %arg6[%dma_wait3A, %dma_wait3A_14] : memref<512x96xf32, #tpu.memory_space<vmem>> -> memref<32x96xf32, #tpu.memory_space<vmem>>
      %dma_wait3A_16 = arith.constant 0 : i32
      %dma_wait3A_17 = arith.constant 0 : i32
      %dma_wait3A_18 = tpu.memref_slice %dma_wait3A_15[%dma_wait3A_16, %dma_wait3A_17] : memref<32x96xf32, #tpu.memory_space<vmem>> -> memref<1x96xf32, #tpu.memory_space<vmem>>
      %dma_wait3A_19 = arith.constant 0 : i32
      %dma_wait3A_20 = arith.constant 0 : i32
      %dma_wait3A_21 = tpu.memref_slice %arg3[%dma_wait3A_19, %dma_wait3A_20] : memref<1000000x96xf32, #tpu.memory_space<hbm>> -> memref<1x96xf32, #tpu.memory_space<hbm>>
      %dma_wait3A_22 = arith.constant 0 : i32
      %dma_wait3A_23 = arith.constant 0 : i32
      %dma_wait3A_24 = tpu.memref_slice %arg6[%dma_wait3A_22, %dma_wait3A_23] : memref<512x96xf32, #tpu.memory_space<vmem>> -> memref<32x96xf32, #tpu.memory_space<vmem>>
      %dma_wait3A_25 = arith.constant 0 : i32
      %dma_wait3A_26 = arith.constant 0 : i32
      %dma_wait3A_27 = tpu.memref_slice %dma_wait3A_24[%dma_wait3A_25, %dma_wait3A_26] : memref<32x96xf32, #tpu.memory_space<vmem>> -> memref<1x96xf32, #tpu.memory_space<vmem>>
      %dma_wait3A_28 = arith.constant 0 : i32
      %dma_wait3A_29 = arith.constant 0 : i32
      %dma_wait3A_30 = tpu.memref_slice %arg3[%dma_wait3A_28, %dma_wait3A_29] : memref<1000000x96xf32, #tpu.memory_space<hbm>> -> memref<1x96xf32, #tpu.memory_space<hbm>>
      tpu.wait_dma2 semaphore(%arg7 : memref<!tpu.dma_semaphore, #tpu.memory_space<semaphore_mem>>) src(%dma_wait3A_30 : memref<1x96xf32, #tpu.memory_space<hbm>>) dst(%dma_wait3A_27 : memref<1x96xf32, #tpu.memory_space<vmem>>)
      %dma_wait3A_31 = arith.constant 0 : i32
      %dma_wait3A_32 = arith.constant 0 : i32
      %dma_wait3A_33 = tpu.memref_slice %arg6[%dma_wait3A_31, %dma_wait3A_32] : memref<512x96xf32, #tpu.memory_space<vmem>> -> memref<32x96xf32, #tpu.memory_space<vmem>>
      %dma_wait3A_34 = arith.constant 1 : i32
      %dma_wait3A_35 = arith.constant 0 : i32
      %dma_wait3A_36 = tpu.memref_slice %dma_wait3A_33[%dma_wait3A_34, %dma_wait3A_35] : memref<32x96xf32, #tpu.memory_space<vmem>> -> memref<1x96xf32, #tpu.memory_space<vmem>>
      %dma_wait3A_37 = arith.constant 0 : i32
      %dma_wait3A_38 = arith.constant 0 : i32
      %dma_wait3A_39 = tpu.memref_slice %arg3[%dma_wait3A_37, %dma_wait3A_38] : memref<1000000x96xf32, #tpu.memory_space<hbm>> -> memref<1x96xf32, #tpu.memory_space<hbm>>
      %dma_wait3A_40 = arith.constant 0 : i32
      %dma_wait3A_41 = arith.constant 0 : i32
      %dma_wait3A_42 = tpu.memref_slice %arg6[%dma_wait3A_40, %dma_wait3A_41] : memref<512x96xf32, #tpu.memory_space<vmem>> -> memref<32x96xf32, #tpu.memory_space<vmem>>
      %dma_wait3A_43 = arith.constant 1 : i32
      %dma_wait3A_44 = arith.constant 0 : i32
      %dma_wait3A_45 = tpu.memref_slice %dma_wait3A_42[%dma_wait3A_43, %dma_wait3A_44] : memref<32x96xf32, #tpu.memory_space<vmem>> -> memref<1x96xf32, #tpu.memory_space<vmem>>
      %dma_wait3A_46 = arith.constant 0 : i32
      %dma_wait3A_47 = arith.constant 0 : i32
      %dma_wait3A_48 = tpu.memref_slice %arg3[%dma_wait3A_46, %dma_wait3A_47] : memref<1000000x96xf32, #tpu.memory_space<hbm>> -> memref<1x96xf32, #tpu.memory_space<hbm>>
      tpu.wait_dma2 semaphore(%arg7 : memref<!tpu.dma_semaphore, #tpu.memory_space<semaphore_mem>>) src(%dma_wait3A_48 : memref<1x96xf32, #tpu.memory_space<hbm>>) dst(%dma_wait3A_45 : memref<1x96xf32, #tpu.memory_space<vmem>>)
      %dma_wait3A_49 = arith.constant 0 : i32
      %dma_wait3A_50 = arith.constant 0 : i32
      %dma_wait3A_51 = tpu.memref_slice %arg6[%dma_wait3A_49, %dma_wait3A_50] : memref<512x96xf32, #tpu.memory_space<vmem>> -> memref<32x96xf32, #tpu.memory_space<vmem>>
      %dma_wait3A_52 = arith.constant 2 : i32
      %dma_wait3A_53 = arith.constant 0 : i32
      %dma_wait3A_54 = tpu.memref_slice %dma_wait3A_51[%dma_wait3A_52, %dma_wait3A_53] : memref<32x96xf32, #tpu.memory_space<vmem>> -> memref<1x96xf32, #tpu.memory_space<vmem>>
      %dma_wait3A_55 = arith.constant 0 : i32
      %dma_wait3A_56 = arith.constant 0 : i32
      %dma_wait3A_57 = tpu.memref_slice %arg3[%dma_wait3A_55, %dma_wait3A_56] : memref<1000000x96xf32, #tpu.memory_space<hbm>> -> memref<1x96xf32, #tpu.memory_space<hbm>>
      %dma_wait3A_58 = arith.constant 0 : i32
      %dma_wait3A_59 = arith.constant 0 : i32
      %dma_wait3A_60 = tpu.memref_slice %arg6[%dma_wait3A_58, %dma_wait3A_59] : memref<512x96xf32, #tpu.memory_space<vmem>> -> memref<32x96xf32, #tpu.memory_space<vmem>>
      %dma_wait3A_61 = arith.constant 2 : i32
      %dma_wait3A_62 = arith.constant 0 : i32
      %dma_wait3A_63 = tpu.memref_slice %dma_wait3A_60[%dma_wait3A_61, %dma_wait3A_62] : memref<32x96xf32, #tpu.memory_space<vmem>> -> memref<1x96xf32, #tpu.memory_space<vmem>>
      %dma_wait3A_64 = arith.constant 0 : i32
      %dma_wait3A_65 = arith.constant 0 : i32
      %dma_wait3A_66 = tpu.memref_slice %arg3[%dma_wait3A_64, %dma_wait3A_65] : memref<1000000x96xf32, #tpu.memory_space<hbm>> -> memref<1x96xf32, #tpu.memory_space<hbm>>
      tpu.wait_dma2 semaphore(%arg7 : memref<!tpu.dma_semaphore, #tpu.memory_space<semaphore_mem>>) src(%dma_wait3A_66 : memref<1x96xf32, #tpu.memory_space<hbm>>) dst(%dma_wait3A_63 : memref<1x96xf32, #tpu.memory_space<vmem>>)
      %dma_wait3A_67 = arith.constant 0 : i32
      %dma_wait3A_68 = arith.constant 0 : i32
      %dma_wait3A_69 = tpu.memref_slice %arg6[%dma_wait3A_67, %dma_wait3A_68] : memref<512x96xf32, #tpu.memory_space<vmem>> -> memref<32x96xf32, #tpu.memory_space<vmem>>
      %dma_wait3A_70 = arith.constant 3 : i32
      %dma_wait3A_71 = arith.constant 0 : i32
      %dma_wait3A_72 = tpu.memref_slice %dma_wait3A_69[%dma_wait3A_70, %dma_wait3A_71] : memref<32x96xf32, #tpu.memory_space<vmem>> -> memref<1x96xf32, #tpu.memory_space<vmem>>
      %dma_wait3A_73 = arith.constant 0 : i32
      %dma_wait3A_74 = arith.constant 0 : i32
      %dma_wait3A_75 = tpu.memref_slice %arg3[%dma_wait3A_73, %dma_wait3A_74] : memref<1000000x96xf32, #tpu.memory_space<hbm>> -> memref<1x96xf32, #tpu.memory_space<hbm>>
      %dma_wait3A_76 = arith.constant 0 : i32
      %dma_wait3A_77 = arith.constant 0 : i32
      %dma_wait3A_78 = tpu.memref_slice %arg6[%dma_wait3A_76, %dma_wait3A_77] : memref<512x96xf32, #tpu.memory_space<vmem>> -> memref<32x96xf32, #tpu.memory_space<vmem>>
      %dma_wait3A_79 = arith.constant 3 : i32
      %dma_wait3A_80 = arith.constant 0 : i32
      %dma_wait3A_81 = tpu.memref_slice %dma_wait3A_78[%dma_wait3A_79, %dma_wait3A_80] : memref<32x96xf32, #tpu.memory_space<vmem>> -> memref<1x96xf32, #tpu.memory_space<vmem>>
      %dma_wait3A_82 = arith.constant 0 : i32
      %dma_wait3A_83 = arith.constant 0 : i32
      %dma_wait3A_84 = tpu.memref_slice %arg3[%dma_wait3A_82, %dma_wait3A_83] : memref<1000000x96xf32, #tpu.memory_space<hbm>> -> memref<1x96xf32, #tpu.memory_space<hbm>>
      tpu.wait_dma2 semaphore(%arg7 : memref<!tpu.dma_semaphore, #tpu.memory_space<semaphore_mem>>) src(%dma_wait3A_84 : memref<1x96xf32, #tpu.memory_space<hbm>>) dst(%dma_wait3A_81 : memref<1x96xf32, #tpu.memory_space<vmem>>)
      %dma_wait3A_85 = arith.constant 0 : i32
      %dma_wait3A_86 = arith.constant 0 : i32
      %dma_wait3A_87 = tpu.memref_slice %arg6[%dma_wait3A_85, %dma_wait3A_86] : memref<512x96xf32, #tpu.memory_space<vmem>> -> memref<32x96xf32, #tpu.memory_space<vmem>>
      %dma_wait3A_88 = arith.constant 4 : i32
      %dma_wait3A_89 = arith.constant 0 : i32
      %dma_wait3A_90 = tpu.memref_slice %dma_wait3A_87[%dma_wait3A_88, %dma_wait3A_89] : memref<32x96xf32, #tpu.memory_space<vmem>> -> memref<1x96xf32, #tpu.memory_space<vmem>>
      %dma_wait3A_91 = arith.constant 0 : i32
      %dma_wait3A_92 = arith.constant 0 : i32
      %dma_wait3A_93 = tpu.memref_slice %arg3[%dma_wait3A_91, %dma_wait3A_92] : memref<1000000x96xf32, #tpu.memory_space<hbm>> -> memref<1x96xf32, #tpu.memory_space<hbm>>
      %dma_wait3A_94 = arith.constant 0 : i32
      %dma_wait3A_95 = arith.constant 0 : i32
      %dma_wait3A_96 = tpu.memref_slice %arg6[%dma_wait3A_94, %dma_wait3A_95] : memref<512x96xf32, #tpu.memory_space<vmem>> -> memref<32x96xf32, #tpu.memory_space<vmem>>
      %dma_wait3A_97 = arith.constant 4 : i32
      %dma_wait3A_98 = arith.constant 0 : i32
      %dma_wait3A_99 = tpu.memref_slice %dma_wait3A_96[%dma_wait3A_97, %dma_wait3A_98] : memref<32x96xf32, #tpu.memory_space<vmem>> -> memref<1x96xf32, #tpu.memory_space<vmem>>
      %dma_wait3A_100 = arith.constant 0 : i32
      %dma_wait3A_101 = arith.constant 0 : i32
      %dma_wait3A_102 = tpu.memref_slice %arg3[%dma_wait3A_100, %dma_wait3A_101] : memref<1000000x96xf32, #tpu.memory_space<hbm>> -> memref<1x96xf32, #tpu.memory_space<hbm>>
      tpu.wait_dma2 semaphore(%arg7 : memref<!tpu.dma_semaphore, #tpu.memory_space<semaphore_mem>>) src(%dma_wait3A_102 : memref<1x96xf32, #tpu.memory_space<hbm>>) dst(%dma_wait3A_99 : memref<1x96xf32, #tpu.memory_space<vmem>>)
      %dma_wait3A_103 = arith.constant 0 : i32
      %dma_wait3A_104 = arith.constant 0 : i32
      %dma_wait3A_105 = tpu.memref_slice %arg6[%dma_wait3A_103, %dma_wait3A_104] : memref<512x96xf32, #tpu.memory_space<vmem>> -> memref<32x96xf32, #tpu.memory_space<vmem>>
      %dma_wait3A_106 = arith.constant 5 : i32
      %dma_wait3A_107 = arith.constant 0 : i32
      %dma_wait3A_108 = tpu.memref_slice %dma_wait3A_105[%dma_wait3A_106, %dma_wait3A_107] : memref<32x96xf32, #tpu.memory_space<vmem>> -> memref<1x96xf32, #tpu.memory_space<vmem>>
      %dma_wait3A_109 = arith.constant 0 : i32
      %dma_wait3A_110 = arith.constant 0 : i32
      %dma_wait3A_111 = tpu.memref_slice %arg3[%dma_wait3A_109, %dma_wait3A_110] : memref<1000000x96xf32, #tpu.memory_space<hbm>> -> memref<1x96xf32, #tpu.memory_space<hbm>>
      %dma_wait3A_112 = arith.constant 0 : i32
      %dma_wait3A_113 = arith.constant 0 : i32
      %dma_wait3A_114 = tpu.memref_slice %arg6[%dma_wait3A_112, %dma_wait3A_113] : memref<512x96xf32, #tpu.memory_space<vmem>> -> memref<32x96xf32, #tpu.memory_space<vmem>>
      %dma_wait3A_115 = arith.constant 5 : i32
      %dma_wait3A_116 = arith.constant 0 : i32
      %dma_wait3A_117 = tpu.memref_slice %dma_wait3A_114[%dma_wait3A_115, %dma_wait3A_116] : memref<32x96xf32, #tpu.memory_space<vmem>> -> memref<1x96xf32, #tpu.memory_space<vmem>>
      %dma_wait3A_118 = arith.constant 0 : i32
      %dma_wait3A_119 = arith.constant 0 : i32
      %dma_wait3A_120 = tpu.memref_slice %arg3[%dma_wait3A_118, %dma_wait3A_119] : memref<1000000x96xf32, #tpu.memory_space<hbm>> -> memref<1x96xf32, #tpu.memory_space<hbm>>
      tpu.wait_dma2 semaphore(%arg7 : memref<!tpu.dma_semaphore, #tpu.memory_space<semaphore_mem>>) src(%dma_wait3A_120 : memref<1x96xf32, #tpu.memory_space<hbm>>) dst(%dma_wait3A_117 : memref<1x96xf32, #tpu.memory_space<vmem>>)
      %dma_wait3A_121 = arith.constant 0 : i32
      %dma_wait3A_122 = arith.constant 0 : i32
      %dma_wait3A_123 = tpu.memref_slice %arg6[%dma_wait3A_121, %dma_wait3A_122] : memref<512x96xf32, #tpu.memory_space<vmem>> -> memref<32x96xf32, #tpu.memory_space<vmem>>
      %dma_wait3A_124 = arith.constant 6 : i32
      %dma_wait3A_125 = arith.constant 0 : i32
      %dma_wait3A_126 = tpu.memref_slice %dma_wait3A_123[%dma_wait3A_124, %dma_wait3A_125] : memref<32x96xf32, #tpu.memory_space<vmem>> -> memref<1x96xf32, #tpu.memory_space<vmem>>
      %dma_wait3A_127 = arith.constant 0 : i32
      %dma_wait3A_128 = arith.constant 0 : i32
      %dma_wait3A_129 = tpu.memref_slice %arg3[%dma_wait3A_127, %dma_wait3A_128] : memref<1000000x96xf32, #tpu.memory_space<hbm>> -> memref<1x96xf32, #tpu.memory_space<hbm>>
      %dma_wait3A_130 = arith.constant 0 : i32
      %dma_wait3A_131 = arith.constant 0 : i32
      %dma_wait3A_132 = tpu.memref_slice %arg6[%dma_wait3A_130, %dma_wait3A_131] : memref<512x96xf32, #tpu.memory_space<vmem>> -> memref<32x96xf32, #tpu.memory_space<vmem>>
      %dma_wait3A_133 = arith.constant 6 : i32
      %dma_wait3A_134 = arith.constant 0 : i32
      %dma_wait3A_135 = tpu.memref_slice %dma_wait3A_132[%dma_wait3A_133, %dma_wait3A_134] : memref<32x96xf32, #tpu.memory_space<vmem>> -> memref<1x96xf32, #tpu.memory_space<vmem>>
      %dma_wait3A_136 = arith.constant 0 : i32
      %dma_wait3A_137 = arith.constant 0 : i32
      %dma_wait3A_138 = tpu.memref_slice %arg3[%dma_wait3A_136, %dma_wait3A_137] : memref<1000000x96xf32, #tpu.memory_space<hbm>> -> memref<1x96xf32, #tpu.memory_space<hbm>>
      tpu.wait_dma2 semaphore(%arg7 : memref<!tpu.dma_semaphore, #tpu.memory_space<semaphore_mem>>) src(%dma_wait3A_138 : memref<1x96xf32, #tpu.memory_space<hbm>>) dst(%dma_wait3A_135 : memref<1x96xf32, #tpu.memory_space<vmem>>)
      %dma_wait3A_139 = arith.constant 0 : i32
      %dma_wait3A_140 = arith.constant 0 : i32
      %dma_wait3A_141 = tpu.memref_slice %arg6[%dma_wait3A_139, %dma_wait3A_140] : memref<512x96xf32, #tpu.memory_space<vmem>> -> memref<32x96xf32, #tpu.memory_space<vmem>>
      %dma_wait3A_142 = arith.constant 7 : i32
      %dma_wait3A_143 = arith.constant 0 : i32
      %dma_wait3A_144 = tpu.memref_slice %dma_wait3A_141[%dma_wait3A_142, %dma_wait3A_143] : memref<32x96xf32, #tpu.memory_space<vmem>> -> memref<1x96xf32, #tpu.memory_space<vmem>>
      %dma_wait3A_145 = arith.constant 0 : i32
      %dma_wait3A_146 = arith.constant 0 : i32
      %dma_wait3A_147 = tpu.memref_slice %arg3[%dma_wait3A_145, %dma_wait3A_146] : memref<1000000x96xf32, #tpu.memory_space<hbm>> -> memref<1x96xf32, #tpu.memory_space<hbm>>
      %dma_wait3A_148 = arith.constant 0 : i32
      %dma_wait3A_149 = arith.constant 0 : i32
      %dma_wait3A_150 = tpu.memref_slice %arg6[%dma_wait3A_148, %dma_wait3A_149] : memref<512x96xf32, #tpu.memory_space<vmem>> -> memref<32x96xf32, #tpu.memory_space<vmem>>
      %dma_wait3A_151 = arith.constant 7 : i32
      %dma_wait3A_152 = arith.constant 0 : i32
      %dma_wait3A_153 = tpu.memref_slice %dma_wait3A_150[%dma_wait3A_151, %dma_wait3A_152] : memref<32x96xf32, #tpu.memory_space<vmem>> -> memref<1x96xf32, #tpu.memory_space<vmem>>
      %dma_wait3A_154 = arith.constant 0 : i32
      %dma_wait3A_155 = arith.constant 0 : i32
      %dma_wait3A_156 = tpu.memref_slice %arg3[%dma_wait3A_154, %dma_wait3A_155] : memref<1000000x96xf32, #tpu.memory_space<hbm>> -> memref<1x96xf32, #tpu.memory_space<hbm>>
      tpu.wait_dma2 semaphore(%arg7 : memref<!tpu.dma_semaphore, #tpu.memory_space<semaphore_mem>>) src(%dma_wait3A_156 : memref<1x96xf32, #tpu.memory_space<hbm>>) dst(%dma_wait3A_153 : memref<1x96xf32, #tpu.memory_space<vmem>>)
      %dma_wait3A_157 = arith.constant 0 : i32
      %dma_wait3A_158 = arith.constant 0 : i32
      %dma_wait3A_159 = tpu.memref_slice %arg6[%dma_wait3A_157, %dma_wait3A_158] : memref<512x96xf32, #tpu.memory_space<vmem>> -> memref<32x96xf32, #tpu.memory_space<vmem>>
      %dma_wait3A_160 = arith.constant 8 : i32
      %dma_wait3A_161 = arith.constant 0 : i32
      %dma_wait3A_162 = tpu.memref_slice %dma_wait3A_159[%dma_wait3A_160, %dma_wait3A_161] : memref<32x96xf32, #tpu.memory_space<vmem>> -> memref<1x96xf32, #tpu.memory_space<vmem>>
      %dma_wait3A_163 = arith.constant 0 : i32
      %dma_wait3A_164 = arith.constant 0 : i32
      %dma_wait3A_165 = tpu.memref_slice %arg3[%dma_wait3A_163, %dma_wait3A_164] : memref<1000000x96xf32, #tpu.memory_space<hbm>> -> memref<1x96xf32, #tpu.memory_space<hbm>>
      %dma_wait3A_166 = arith.constant 0 : i32
      %dma_wait3A_167 = arith.constant 0 : i32
      %dma_wait3A_168 = tpu.memref_slice %arg6[%dma_wait3A_166, %dma_wait3A_167] : memref<512x96xf32, #tpu.memory_space<vmem>> -> memref<32x96xf32, #tpu.memory_space<vmem>>
      %dma_wait3A_169 = arith.constant 8 : i32
      %dma_wait3A_170 = arith.constant 0 : i32
      %dma_wait3A_171 = tpu.memref_slice %dma_wait3A_168[%dma_wait3A_169, %dma_wait3A_170] : memref<32x96xf32, #tpu.memory_space<vmem>> -> memref<1x96xf32, #tpu.memory_space<vmem>>
      %dma_wait3A_172 = arith.constant 0 : i32
      %dma_wait3A_173 = arith.constant 0 : i32
      %dma_wait3A_174 = tpu.memref_slice %arg3[%dma_wait3A_172, %dma_wait3A_173] : memref<1000000x96xf32, #tpu.memory_space<hbm>> -> memref<1x96xf32, #tpu.memory_space<hbm>>
      tpu.wait_dma2 semaphore(%arg7 : memref<!tpu.dma_semaphore, #tpu.memory_space<semaphore_mem>>) src(%dma_wait3A_174 : memref<1x96xf32, #tpu.memory_space<hbm>>) dst(%dma_wait3A_171 : memref<1x96xf32, #tpu.memory_space<vmem>>)
      %dma_wait3A_175 = arith.constant 0 : i32
      %dma_wait3A_176 = arith.constant 0 : i32
      %dma_wait3A_177 = tpu.memref_slice %arg6[%dma_wait3A_175, %dma_wait3A_176] : memref<512x96xf32, #tpu.memory_space<vmem>> -> memref<32x96xf32, #tpu.memory_space<vmem>>
      %dma_wait3A_178 = arith.constant 9 : i32
      %dma_wait3A_179 = arith.constant 0 : i32
      %dma_wait3A_180 = tpu.memref_slice %dma_wait3A_177[%dma_wait3A_178, %dma_wait3A_179] : memref<32x96xf32, #tpu.memory_space<vmem>> -> memref<1x96xf32, #tpu.memory_space<vmem>>
      %dma_wait3A_181 = arith.constant 0 : i32
      %dma_wait3A_182 = arith.constant 0 : i32
      %dma_wait3A_183 = tpu.memref_slice %arg3[%dma_wait3A_181, %dma_wait3A_182] : memref<1000000x96xf32, #tpu.memory_space<hbm>> -> memref<1x96xf32, #tpu.memory_space<hbm>>
      %dma_wait3A_184 = arith.constant 0 : i32
      %dma_wait3A_185 = arith.constant 0 : i32
      %dma_wait3A_186 = tpu.memref_slice %arg6[%dma_wait3A_184, %dma_wait3A_185] : memref<512x96xf32, #tpu.memory_space<vmem>> -> memref<32x96xf32, #tpu.memory_space<vmem>>
      %dma_wait3A_187 = arith.constant 9 : i32
      %dma_wait3A_188 = arith.constant 0 : i32
      %dma_wait3A_189 = tpu.memref_slice %dma_wait3A_186[%dma_wait3A_187, %dma_wait3A_188] : memref<32x96xf32, #tpu.memory_space<vmem>> -> memref<1x96xf32, #tpu.memory_space<vmem>>
      %dma_wait3A_190 = arith.constant 0 : i32
      %dma_wait3A_191 = arith.constant 0 : i32
      %dma_wait3A_192 = tpu.memref_slice %arg3[%dma_wait3A_190, %dma_wait3A_191] : memref<1000000x96xf32, #tpu.memory_space<hbm>> -> memref<1x96xf32, #tpu.memory_space<hbm>>
      tpu.wait_dma2 semaphore(%arg7 : memref<!tpu.dma_semaphore, #tpu.memory_space<semaphore_mem>>) src(%dma_wait3A_192 : memref<1x96xf32, #tpu.memory_space<hbm>>) dst(%dma_wait3A_189 : memref<1x96xf32, #tpu.memory_space<vmem>>)
      %dma_wait3A_193 = arith.constant 0 : i32
      %dma_wait3A_194 = arith.constant 0 : i32
      %dma_wait3A_195 = tpu.memref_slice %arg6[%dma_wait3A_193, %dma_wait3A_194] : memref<512x96xf32, #tpu.memory_space<vmem>> -> memref<32x96xf32, #tpu.memory_space<vmem>>
      %dma_wait3A_196 = arith.constant 10 : i32
      %dma_wait3A_197 = arith.constant 0 : i32
      %dma_wait3A_198 = tpu.memref_slice %dma_wait3A_195[%dma_wait3A_196, %dma_wait3A_197] : memref<32x96xf32, #tpu.memory_space<vmem>> -> memref<1x96xf32, #tpu.memory_space<vmem>>
      %dma_wait3A_199 = arith.constant 0 : i32
      %dma_wait3A_200 = arith.constant 0 : i32
      %dma_wait3A_201 = tpu.memref_slice %arg3[%dma_wait3A_199, %dma_wait3A_200] : memref<1000000x96xf32, #tpu.memory_space<hbm>> -> memref<1x96xf32, #tpu.memory_space<hbm>>
      %dma_wait3A_202 = arith.constant 0 : i32
      %dma_wait3A_203 = arith.constant 0 : i32
      %dma_wait3A_204 = tpu.memref_slice %arg6[%dma_wait3A_202, %dma_wait3A_203] : memref<512x96xf32, #tpu.memory_space<vmem>> -> memref<32x96xf32, #tpu.memory_space<vmem>>
      %dma_wait3A_205 = arith.constant 10 : i32
      %dma_wait3A_206 = arith.constant 0 : i32
      %dma_wait3A_207 = tpu.memref_slice %dma_wait3A_204[%dma_wait3A_205, %dma_wait3A_206] : memref<32x96xf32, #tpu.memory_space<vmem>> -> memref<1x96xf32, #tpu.memory_space<vmem>>
      %dma_wait3A_208 = arith.constant 0 : i32
      %dma_wait3A_209 = arith.constant 0 : i32
      %dma_wait3A_210 = tpu.memref_slice %arg3[%dma_wait3A_208, %dma_wait3A_209] : memref<1000000x96xf32, #tpu.memory_space<hbm>> -> memref<1x96xf32, #tpu.memory_space<hbm>>
      tpu.wait_dma2 semaphore(%arg7 : memref<!tpu.dma_semaphore, #tpu.memory_space<semaphore_mem>>) src(%dma_wait3A_210 : memref<1x96xf32, #tpu.memory_space<hbm>>) dst(%dma_wait3A_207 : memref<1x96xf32, #tpu.memory_space<vmem>>)
      %dma_wait3A_211 = arith.constant 0 : i32
      %dma_wait3A_212 = arith.constant 0 : i32
      %dma_wait3A_213 = tpu.memref_slice %arg6[%dma_wait3A_211, %dma_wait3A_212] : memref<512x96xf32, #tpu.memory_space<vmem>> -> memref<32x96xf32, #tpu.memory_space<vmem>>
      %dma_wait3A_214 = arith.constant 11 : i32
      %dma_wait3A_215 = arith.constant 0 : i32
      %dma_wait3A_216 = tpu.memref_slice %dma_wait3A_213[%dma_wait3A_214, %dma_wait3A_215] : memref<32x96xf32, #tpu.memory_space<vmem>> -> memref<1x96xf32, #tpu.memory_space<vmem>>
      %dma_wait3A_217 = arith.constant 0 : i32
      %dma_wait3A_218 = arith.constant 0 : i32
      %dma_wait3A_219 = tpu.memref_slice %arg3[%dma_wait3A_217, %dma_wait3A_218] : memref<1000000x96xf32, #tpu.memory_space<hbm>> -> memref<1x96xf32, #tpu.memory_space<hbm>>
      %dma_wait3A_220 = arith.constant 0 : i32
      %dma_wait3A_221 = arith.constant 0 : i32
      %dma_wait3A_222 = tpu.memref_slice %arg6[%dma_wait3A_220, %dma_wait3A_221] : memref<512x96xf32, #tpu.memory_space<vmem>> -> memref<32x96xf32, #tpu.memory_space<vmem>>
      %dma_wait3A_223 = arith.constant 11 : i32
      %dma_wait3A_224 = arith.constant 0 : i32
      %dma_wait3A_225 = tpu.memref_slice %dma_wait3A_222[%dma_wait3A_223, %dma_wait3A_224] : memref<32x96xf32, #tpu.memory_space<vmem>> -> memref<1x96xf32, #tpu.memory_space<vmem>>
      %dma_wait3A_226 = arith.constant 0 : i32
      %dma_wait3A_227 = arith.constant 0 : i32
      %dma_wait3A_228 = tpu.memref_slice %arg3[%dma_wait3A_226, %dma_wait3A_227] : memref<1000000x96xf32, #tpu.memory_space<hbm>> -> memref<1x96xf32, #tpu.memory_space<hbm>>
      tpu.wait_dma2 semaphore(%arg7 : memref<!tpu.dma_semaphore, #tpu.memory_space<semaphore_mem>>) src(%dma_wait3A_228 : memref<1x96xf32, #tpu.memory_space<hbm>>) dst(%dma_wait3A_225 : memref<1x96xf32, #tpu.memory_space<vmem>>)
      %dma_wait3A_229 = arith.constant 0 : i32
      %dma_wait3A_230 = arith.constant 0 : i32
      %dma_wait3A_231 = tpu.memref_slice %arg6[%dma_wait3A_229, %dma_wait3A_230] : memref<512x96xf32, #tpu.memory_space<vmem>> -> memref<32x96xf32, #tpu.memory_space<vmem>>
      %dma_wait3A_232 = arith.constant 12 : i32
      %dma_wait3A_233 = arith.constant 0 : i32
      %dma_wait3A_234 = tpu.memref_slice %dma_wait3A_231[%dma_wait3A_232, %dma_wait3A_233] : memref<32x96xf32, #tpu.memory_space<vmem>> -> memref<1x96xf32, #tpu.memory_space<vmem>>
      %dma_wait3A_235 = arith.constant 0 : i32
      %dma_wait3A_236 = arith.constant 0 : i32
      %dma_wait3A_237 = tpu.memref_slice %arg3[%dma_wait3A_235, %dma_wait3A_236] : memref<1000000x96xf32, #tpu.memory_space<hbm>> -> memref<1x96xf32, #tpu.memory_space<hbm>>
      %dma_wait3A_238 = arith.constant 0 : i32
      %dma_wait3A_239 = arith.constant 0 : i32
      %dma_wait3A_240 = tpu.memref_slice %arg6[%dma_wait3A_238, %dma_wait3A_239] : memref<512x96xf32, #tpu.memory_space<vmem>> -> memref<32x96xf32, #tpu.memory_space<vmem>>
      %dma_wait3A_241 = arith.constant 12 : i32
      %dma_wait3A_242 = arith.constant 0 : i32
      %dma_wait3A_243 = tpu.memref_slice %dma_wait3A_240[%dma_wait3A_241, %dma_wait3A_242] : memref<32x96xf32, #tpu.memory_space<vmem>> -> memref<1x96xf32, #tpu.memory_space<vmem>>
      %dma_wait3A_244 = arith.constant 0 : i32
      %dma_wait3A_245 = arith.constant 0 : i32
      %dma_wait3A_246 = tpu.memref_slice %arg3[%dma_wait3A_244, %dma_wait3A_245] : memref<1000000x96xf32, #tpu.memory_space<hbm>> -> memref<1x96xf32, #tpu.memory_space<hbm>>
      tpu.wait_dma2 semaphore(%arg7 : memref<!tpu.dma_semaphore, #tpu.memory_space<semaphore_mem>>) src(%dma_wait3A_246 : memref<1x96xf32, #tpu.memory_space<hbm>>) dst(%dma_wait3A_243 : memref<1x96xf32, #tpu.memory_space<vmem>>)
      %dma_wait3A_247 = arith.constant 0 : i32
      %dma_wait3A_248 = arith.constant 0 : i32
      %dma_wait3A_249 = tpu.memref_slice %arg6[%dma_wait3A_247, %dma_wait3A_248] : memref<512x96xf32, #tpu.memory_space<vmem>> -> memref<32x96xf32, #tpu.memory_space<vmem>>
      %dma_wait3A_250 = arith.constant 13 : i32
      %dma_wait3A_251 = arith.constant 0 : i32
      %dma_wait3A_252 = tpu.memref_slice %dma_wait3A_249[%dma_wait3A_250, %dma_wait3A_251] : memref<32x96xf32, #tpu.memory_space<vmem>> -> memref<1x96xf32, #tpu.memory_space<vmem>>
      %dma_wait3A_253 = arith.constant 0 : i32
      %dma_wait3A_254 = arith.constant 0 : i32
      %dma_wait3A_255 = tpu.memref_slice %arg3[%dma_wait3A_253, %dma_wait3A_254] : memref<1000000x96xf32, #tpu.memory_space<hbm>> -> memref<1x96xf32, #tpu.memory_space<hbm>>
      %dma_wait3A_256 = arith.constant 0 : i32
      %dma_wait3A_257 = arith.constant 0 : i32
      %dma_wait3A_258 = tpu.memref_slice %arg6[%dma_wait3A_256, %dma_wait3A_257] : memref<512x96xf32, #tpu.memory_space<vmem>> -> memref<32x96xf32, #tpu.memory_space<vmem>>
      %dma_wait3A_259 = arith.constant 13 : i32
      %dma_wait3A_260 = arith.constant 0 : i32
      %dma_wait3A_261 = tpu.memref_slice %dma_wait3A_258[%dma_wait3A_259, %dma_wait3A_260] : memref<32x96xf32, #tpu.memory_space<vmem>> -> memref<1x96xf32, #tpu.memory_space<vmem>>
      %dma_wait3A_262 = arith.constant 0 : i32
      %dma_wait3A_263 = arith.constant 0 : i32
      %dma_wait3A_264 = tpu.memref_slice %arg3[%dma_wait3A_262, %dma_wait3A_263] : memref<1000000x96xf32, #tpu.memory_space<hbm>> -> memref<1x96xf32, #tpu.memory_space<hbm>>
      tpu.wait_dma2 semaphore(%arg7 : memref<!tpu.dma_semaphore, #tpu.memory_space<semaphore_mem>>) src(%dma_wait3A_264 : memref<1x96xf32, #tpu.memory_space<hbm>>) dst(%dma_wait3A_261 : memref<1x96xf32, #tpu.memory_space<vmem>>)
      %dma_wait3A_265 = arith.constant 0 : i32
      %dma_wait3A_266 = arith.constant 0 : i32
      %dma_wait3A_267 = tpu.memref_slice %arg6[%dma_wait3A_265, %dma_wait3A_266] : memref<512x96xf32, #tpu.memory_space<vmem>> -> memref<32x96xf32, #tpu.memory_space<vmem>>
      %dma_wait3A_268 = arith.constant 14 : i32
      %dma_wait3A_269 = arith.constant 0 : i32
      %dma_wait3A_270 = tpu.memref_slice %dma_wait3A_267[%dma_wait3A_268, %dma_wait3A_269] : memref<32x96xf32, #tpu.memory_space<vmem>> -> memref<1x96xf32, #tpu.memory_space<vmem>>
      %dma_wait3A_271 = arith.constant 0 : i32
      %dma_wait3A_272 = arith.constant 0 : i32
      %dma_wait3A_273 = tpu.memref_slice %arg3[%dma_wait3A_271, %dma_wait3A_272] : memref<1000000x96xf32, #tpu.memory_space<hbm>> -> memref<1x96xf32, #tpu.memory_space<hbm>>
      %dma_wait3A_274 = arith.constant 0 : i32
      %dma_wait3A_275 = arith.constant 0 : i32
      %dma_wait3A_276 = tpu.memref_slice %arg6[%dma_wait3A_274, %dma_wait3A_275] : memref<512x96xf32, #tpu.memory_space<vmem>> -> memref<32x96xf32, #tpu.memory_space<vmem>>
      %dma_wait3A_277 = arith.constant 14 : i32
      %dma_wait3A_278 = arith.constant 0 : i32
      %dma_wait3A_279 = tpu.memref_slice %dma_wait3A_276[%dma_wait3A_277, %dma_wait3A_278] : memref<32x96xf32, #tpu.memory_space<vmem>> -> memref<1x96xf32, #tpu.memory_space<vmem>>
      %dma_wait3A_280 = arith.constant 0 : i32
      %dma_wait3A_281 = arith.constant 0 : i32
      %dma_wait3A_282 = tpu.memref_slice %arg3[%dma_wait3A_280, %dma_wait3A_281] : memref<1000000x96xf32, #tpu.memory_space<hbm>> -> memref<1x96xf32, #tpu.memory_space<hbm>>
      tpu.wait_dma2 semaphore(%arg7 : memref<!tpu.dma_semaphore, #tpu.memory_space<semaphore_mem>>) src(%dma_wait3A_282 : memref<1x96xf32, #tpu.memory_space<hbm>>) dst(%dma_wait3A_279 : memref<1x96xf32, #tpu.memory_space<vmem>>)
      %dma_wait3A_283 = arith.constant 0 : i32
      %dma_wait3A_284 = arith.constant 0 : i32
      %dma_wait3A_285 = tpu.memref_slice %arg6[%dma_wait3A_283, %dma_wait3A_284] : memref<512x96xf32, #tpu.memory_space<vmem>> -> memref<32x96xf32, #tpu.memory_space<vmem>>
      %dma_wait3A_286 = arith.constant 15 : i32
      %dma_wait3A_287 = arith.constant 0 : i32
      %dma_wait3A_288 = tpu.memref_slice %dma_wait3A_285[%dma_wait3A_286, %dma_wait3A_287] : memref<32x96xf32, #tpu.memory_space<vmem>> -> memref<1x96xf32, #tpu.memory_space<vmem>>
      %dma_wait3A_289 = arith.constant 0 : i32
      %dma_wait3A_290 = arith.constant 0 : i32
      %dma_wait3A_291 = tpu.memref_slice %arg3[%dma_wait3A_289, %dma_wait3A_290] : memref<1000000x96xf32, #tpu.memory_space<hbm>> -> memref<1x96xf32, #tpu.memory_space<hbm>>
      %dma_wait3A_292 = arith.constant 0 : i32
      %dma_wait3A_293 = arith.constant 0 : i32
      %dma_wait3A_294 = tpu.memref_slice %arg6[%dma_wait3A_292, %dma_wait3A_293] : memref<512x96xf32, #tpu.memory_space<vmem>> -> memref<32x96xf32, #tpu.memory_space<vmem>>
      %dma_wait3A_295 = arith.constant 15 : i32
      %dma_wait3A_296 = arith.constant 0 : i32
      %dma_wait3A_297 = tpu.memref_slice %dma_wait3A_294[%dma_wait3A_295, %dma_wait3A_296] : memref<32x96xf32, #tpu.memory_space<vmem>> -> memref<1x96xf32, #tpu.memory_space<vmem>>
      %dma_wait3A_298 = arith.constant 0 : i32
      %dma_wait3A_299 = arith.constant 0 : i32
      %dma_wait3A_300 = tpu.memref_slice %arg3[%dma_wait3A_298, %dma_wait3A_299] : memref<1000000x96xf32, #tpu.memory_space<hbm>> -> memref<1x96xf32, #tpu.memory_space<hbm>>
      tpu.wait_dma2 semaphore(%arg7 : memref<!tpu.dma_semaphore, #tpu.memory_space<semaphore_mem>>) src(%dma_wait3A_300 : memref<1x96xf32, #tpu.memory_space<hbm>>) dst(%dma_wait3A_297 : memref<1x96xf32, #tpu.memory_space<vmem>>)
      %dma_wait3A_301 = arith.constant 0 : i32
      %dma_wait3A_302 = arith.constant 0 : i32
      %dma_wait3A_303 = tpu.memref_slice %arg6[%dma_wait3A_301, %dma_wait3A_302] : memref<512x96xf32, #tpu.memory_space<vmem>> -> memref<32x96xf32, #tpu.memory_space<vmem>>
      %dma_wait3A_304 = arith.constant 16 : i32
      %dma_wait3A_305 = arith.constant 0 : i32
      %dma_wait3A_306 = tpu.memref_slice %dma_wait3A_303[%dma_wait3A_304, %dma_wait3A_305] : memref<32x96xf32, #tpu.memory_space<vmem>> -> memref<1x96xf32, #tpu.memory_space<vmem>>
      %dma_wait3A_307 = arith.constant 0 : i32
      %dma_wait3A_308 = arith.constant 0 : i32
      %dma_wait3A_309 = tpu.memref_slice %arg3[%dma_wait3A_307, %dma_wait3A_308] : memref<1000000x96xf32, #tpu.memory_space<hbm>> -> memref<1x96xf32, #tpu.memory_space<hbm>>
      %dma_wait3A_310 = arith.constant 0 : i32
      %dma_wait3A_311 = arith.constant 0 : i32
      %dma_wait3A_312 = tpu.memref_slice %arg6[%dma_wait3A_310, %dma_wait3A_311] : memref<512x96xf32, #tpu.memory_space<vmem>> -> memref<32x96xf32, #tpu.memory_space<vmem>>
      %dma_wait3A_313 = arith.constant 16 : i32
      %dma_wait3A_314 = arith.constant 0 : i32
      %dma_wait3A_315 = tpu.memref_slice %dma_wait3A_312[%dma_wait3A_313, %dma_wait3A_314] : memref<32x96xf32, #tpu.memory_space<vmem>> -> memref<1x96xf32, #tpu.memory_space<vmem>>
      %dma_wait3A_316 = arith.constant 0 : i32
      %dma_wait3A_317 = arith.constant 0 : i32
      %dma_wait3A_318 = tpu.memref_slice %arg3[%dma_wait3A_316, %dma_wait3A_317] : memref<1000000x96xf32, #tpu.memory_space<hbm>> -> memref<1x96xf32, #tpu.memory_space<hbm>>
      tpu.wait_dma2 semaphore(%arg7 : memref<!tpu.dma_semaphore, #tpu.memory_space<semaphore_mem>>) src(%dma_wait3A_318 : memref<1x96xf32, #tpu.memory_space<hbm>>) dst(%dma_wait3A_315 : memref<1x96xf32, #tpu.memory_space<vmem>>)
      %dma_wait3A_319 = arith.constant 0 : i32
      %dma_wait3A_320 = arith.constant 0 : i32
      %dma_wait3A_321 = tpu.memref_slice %arg6[%dma_wait3A_319, %dma_wait3A_320] : memref<512x96xf32, #tpu.memory_space<vmem>> -> memref<32x96xf32, #tpu.memory_space<vmem>>
      %dma_wait3A_322 = arith.constant 17 : i32
      %dma_wait3A_323 = arith.constant 0 : i32
      %dma_wait3A_324 = tpu.memref_slice %dma_wait3A_321[%dma_wait3A_322, %dma_wait3A_323] : memref<32x96xf32, #tpu.memory_space<vmem>> -> memref<1x96xf32, #tpu.memory_space<vmem>>
      %dma_wait3A_325 = arith.constant 0 : i32
      %dma_wait3A_326 = arith.constant 0 : i32
      %dma_wait3A_327 = tpu.memref_slice %arg3[%dma_wait3A_325, %dma_wait3A_326] : memref<1000000x96xf32, #tpu.memory_space<hbm>> -> memref<1x96xf32, #tpu.memory_space<hbm>>
      %dma_wait3A_328 = arith.constant 0 : i32
      %dma_wait3A_329 = arith.constant 0 : i32
      %dma_wait3A_330 = tpu.memref_slice %arg6[%dma_wait3A_328, %dma_wait3A_329] : memref<512x96xf32, #tpu.memory_space<vmem>> -> memref<32x96xf32, #tpu.memory_space<vmem>>
      %dma_wait3A_331 = arith.constant 17 : i32
      %dma_wait3A_332 = arith.constant 0 : i32
      %dma_wait3A_333 = tpu.memref_slice %dma_wait3A_330[%dma_wait3A_331, %dma_wait3A_332] : memref<32x96xf32, #tpu.memory_space<vmem>> -> memref<1x96xf32, #tpu.memory_space<vmem>>
      %dma_wait3A_334 = arith.constant 0 : i32
      %dma_wait3A_335 = arith.constant 0 : i32
      %dma_wait3A_336 = tpu.memref_slice %arg3[%dma_wait3A_334, %dma_wait3A_335] : memref<1000000x96xf32, #tpu.memory_space<hbm>> -> memref<1x96xf32, #tpu.memory_space<hbm>>
      tpu.wait_dma2 semaphore(%arg7 : memref<!tpu.dma_semaphore, #tpu.memory_space<semaphore_mem>>) src(%dma_wait3A_336 : memref<1x96xf32, #tpu.memory_space<hbm>>) dst(%dma_wait3A_333 : memref<1x96xf32, #tpu.memory_space<vmem>>)
      %dma_wait3A_337 = arith.constant 0 : i32
      %dma_wait3A_338 = arith.constant 0 : i32
      %dma_wait3A_339 = tpu.memref_slice %arg6[%dma_wait3A_337, %dma_wait3A_338] : memref<512x96xf32, #tpu.memory_space<vmem>> -> memref<32x96xf32, #tpu.memory_space<vmem>>
      %dma_wait3A_340 = arith.constant 18 : i32
      %dma_wait3A_341 = arith.constant 0 : i32
      %dma_wait3A_342 = tpu.memref_slice %dma_wait3A_339[%dma_wait3A_340, %dma_wait3A_341] : memref<32x96xf32, #tpu.memory_space<vmem>> -> memref<1x96xf32, #tpu.memory_space<vmem>>
      %dma_wait3A_343 = arith.constant 0 : i32
      %dma_wait3A_344 = arith.constant 0 : i32
      %dma_wait3A_345 = tpu.memref_slice %arg3[%dma_wait3A_343, %dma_wait3A_344] : memref<1000000x96xf32, #tpu.memory_space<hbm>> -> memref<1x96xf32, #tpu.memory_space<hbm>>
      %dma_wait3A_346 = arith.constant 0 : i32
      %dma_wait3A_347 = arith.constant 0 : i32
      %dma_wait3A_348 = tpu.memref_slice %arg6[%dma_wait3A_346, %dma_wait3A_347] : memref<512x96xf32, #tpu.memory_space<vmem>> -> memref<32x96xf32, #tpu.memory_space<vmem>>
      %dma_wait3A_349 = arith.constant 18 : i32
      %dma_wait3A_350 = arith.constant 0 : i32
      %dma_wait3A_351 = tpu.memref_slice %dma_wait3A_348[%dma_wait3A_349, %dma_wait3A_350] : memref<32x96xf32, #tpu.memory_space<vmem>> -> memref<1x96xf32, #tpu.memory_space<vmem>>
      %dma_wait3A_352 = arith.constant 0 : i32
      %dma_wait3A_353 = arith.constant 0 : i32
      %dma_wait3A_354 = tpu.memref_slice %arg3[%dma_wait3A_352, %dma_wait3A_353] : memref<1000000x96xf32, #tpu.memory_space<hbm>> -> memref<1x96xf32, #tpu.memory_space<hbm>>
      tpu.wait_dma2 semaphore(%arg7 : memref<!tpu.dma_semaphore, #tpu.memory_space<semaphore_mem>>) src(%dma_wait3A_354 : memref<1x96xf32, #tpu.memory_space<hbm>>) dst(%dma_wait3A_351 : memref<1x96xf32, #tpu.memory_space<vmem>>)
      %dma_wait3A_355 = arith.constant 0 : i32
      %dma_wait3A_356 = arith.constant 0 : i32
      %dma_wait3A_357 = tpu.memref_slice %arg6[%dma_wait3A_355, %dma_wait3A_356] : memref<512x96xf32, #tpu.memory_space<vmem>> -> memref<32x96xf32, #tpu.memory_space<vmem>>
      %dma_wait3A_358 = arith.constant 19 : i32
      %dma_wait3A_359 = arith.constant 0 : i32
      %dma_wait3A_360 = tpu.memref_slice %dma_wait3A_357[%dma_wait3A_358, %dma_wait3A_359] : memref<32x96xf32, #tpu.memory_space<vmem>> -> memref<1x96xf32, #tpu.memory_space<vmem>>
      %dma_wait3A_361 = arith.constant 0 : i32
      %dma_wait3A_362 = arith.constant 0 : i32
      %dma_wait3A_363 = tpu.memref_slice %arg3[%dma_wait3A_361, %dma_wait3A_362] : memref<1000000x96xf32, #tpu.memory_space<hbm>> -> memref<1x96xf32, #tpu.memory_space<hbm>>
      %dma_wait3A_364 = arith.constant 0 : i32
      %dma_wait3A_365 = arith.constant 0 : i32
      %dma_wait3A_366 = tpu.memref_slice %arg6[%dma_wait3A_364, %dma_wait3A_365] : memref<512x96xf32, #tpu.memory_space<vmem>> -> memref<32x96xf32, #tpu.memory_space<vmem>>
      %dma_wait3A_367 = arith.constant 19 : i32
      %dma_wait3A_368 = arith.constant 0 : i32
      %dma_wait3A_369 = tpu.memref_slice %dma_wait3A_366[%dma_wait3A_367, %dma_wait3A_368] : memref<32x96xf32, #tpu.memory_space<vmem>> -> memref<1x96xf32, #tpu.memory_space<vmem>>
      %dma_wait3A_370 = arith.constant 0 : i32
      %dma_wait3A_371 = arith.constant 0 : i32
      %dma_wait3A_372 = tpu.memref_slice %arg3[%dma_wait3A_370, %dma_wait3A_371] : memref<1000000x96xf32, #tpu.memory_space<hbm>> -> memref<1x96xf32, #tpu.memory_space<hbm>>
      tpu.wait_dma2 semaphore(%arg7 : memref<!tpu.dma_semaphore, #tpu.memory_space<semaphore_mem>>) src(%dma_wait3A_372 : memref<1x96xf32, #tpu.memory_space<hbm>>) dst(%dma_wait3A_369 : memref<1x96xf32, #tpu.memory_space<vmem>>)
      %dma_wait3A_373 = arith.constant 0 : i32
      %dma_wait3A_374 = arith.constant 0 : i32
      %dma_wait3A_375 = tpu.memref_slice %arg6[%dma_wait3A_373, %dma_wait3A_374] : memref<512x96xf32, #tpu.memory_space<vmem>> -> memref<32x96xf32, #tpu.memory_space<vmem>>
      %dma_wait3A_376 = arith.constant 20 : i32
      %dma_wait3A_377 = arith.constant 0 : i32
      %dma_wait3A_378 = tpu.memref_slice %dma_wait3A_375[%dma_wait3A_376, %dma_wait3A_377] : memref<32x96xf32, #tpu.memory_space<vmem>> -> memref<1x96xf32, #tpu.memory_space<vmem>>
      %dma_wait3A_379 = arith.constant 0 : i32
      %dma_wait3A_380 = arith.constant 0 : i32
      %dma_wait3A_381 = tpu.memref_slice %arg3[%dma_wait3A_379, %dma_wait3A_380] : memref<1000000x96xf32, #tpu.memory_space<hbm>> -> memref<1x96xf32, #tpu.memory_space<hbm>>
      %dma_wait3A_382 = arith.constant 0 : i32
      %dma_wait3A_383 = arith.constant 0 : i32
      %dma_wait3A_384 = tpu.memref_slice %arg6[%dma_wait3A_382, %dma_wait3A_383] : memref<512x96xf32, #tpu.memory_space<vmem>> -> memref<32x96xf32, #tpu.memory_space<vmem>>
      %dma_wait3A_385 = arith.constant 20 : i32
      %dma_wait3A_386 = arith.constant 0 : i32
      %dma_wait3A_387 = tpu.memref_slice %dma_wait3A_384[%dma_wait3A_385, %dma_wait3A_386] : memref<32x96xf32, #tpu.memory_space<vmem>> -> memref<1x96xf32, #tpu.memory_space<vmem>>
      %dma_wait3A_388 = arith.constant 0 : i32
      %dma_wait3A_389 = arith.constant 0 : i32
      %dma_wait3A_390 = tpu.memref_slice %arg3[%dma_wait3A_388, %dma_wait3A_389] : memref<1000000x96xf32, #tpu.memory_space<hbm>> -> memref<1x96xf32, #tpu.memory_space<hbm>>
      tpu.wait_dma2 semaphore(%arg7 : memref<!tpu.dma_semaphore, #tpu.memory_space<semaphore_mem>>) src(%dma_wait3A_390 : memref<1x96xf32, #tpu.memory_space<hbm>>) dst(%dma_wait3A_387 : memref<1x96xf32, #tpu.memory_space<vmem>>)
      %dma_wait3A_391 = arith.constant 0 : i32
      %dma_wait3A_392 = arith.constant 0 : i32
      %dma_wait3A_393 = tpu.memref_slice %arg6[%dma_wait3A_391, %dma_wait3A_392] : memref<512x96xf32, #tpu.memory_space<vmem>> -> memref<32x96xf32, #tpu.memory_space<vmem>>
      %dma_wait3A_394 = arith.constant 21 : i32
      %dma_wait3A_395 = arith.constant 0 : i32
      %dma_wait3A_396 = tpu.memref_slice %dma_wait3A_393[%dma_wait3A_394, %dma_wait3A_395] : memref<32x96xf32, #tpu.memory_space<vmem>> -> memref<1x96xf32, #tpu.memory_space<vmem>>
      %dma_wait3A_397 = arith.constant 0 : i32
      %dma_wait3A_398 = arith.constant 0 : i32
      %dma_wait3A_399 = tpu.memref_slice %arg3[%dma_wait3A_397, %dma_wait3A_398] : memref<1000000x96xf32, #tpu.memory_space<hbm>> -> memref<1x96xf32, #tpu.memory_space<hbm>>
      %dma_wait3A_400 = arith.constant 0 : i32
      %dma_wait3A_401 = arith.constant 0 : i32
      %dma_wait3A_402 = tpu.memref_slice %arg6[%dma_wait3A_400, %dma_wait3A_401] : memref<512x96xf32, #tpu.memory_space<vmem>> -> memref<32x96xf32, #tpu.memory_space<vmem>>
      %dma_wait3A_403 = arith.constant 21 : i32
      %dma_wait3A_404 = arith.constant 0 : i32
      %dma_wait3A_405 = tpu.memref_slice %dma_wait3A_402[%dma_wait3A_403, %dma_wait3A_404] : memref<32x96xf32, #tpu.memory_space<vmem>> -> memref<1x96xf32, #tpu.memory_space<vmem>>
      %dma_wait3A_406 = arith.constant 0 : i32
      %dma_wait3A_407 = arith.constant 0 : i32
      %dma_wait3A_408 = tpu.memref_slice %arg3[%dma_wait3A_406, %dma_wait3A_407] : memref<1000000x96xf32, #tpu.memory_space<hbm>> -> memref<1x96xf32, #tpu.memory_space<hbm>>
      tpu.wait_dma2 semaphore(%arg7 : memref<!tpu.dma_semaphore, #tpu.memory_space<semaphore_mem>>) src(%dma_wait3A_408 : memref<1x96xf32, #tpu.memory_space<hbm>>) dst(%dma_wait3A_405 : memref<1x96xf32, #tpu.memory_space<vmem>>)
      %dma_wait3A_409 = arith.constant 0 : i32
      %dma_wait3A_410 = arith.constant 0 : i32
      %dma_wait3A_411 = tpu.memref_slice %arg6[%dma_wait3A_409, %dma_wait3A_410] : memref<512x96xf32, #tpu.memory_space<vmem>> -> memref<32x96xf32, #tpu.memory_space<vmem>>
      %dma_wait3A_412 = arith.constant 22 : i32
      %dma_wait3A_413 = arith.constant 0 : i32
      %dma_wait3A_414 = tpu.memref_slice %dma_wait3A_411[%dma_wait3A_412, %dma_wait3A_413] : memref<32x96xf32, #tpu.memory_space<vmem>> -> memref<1x96xf32, #tpu.memory_space<vmem>>
      %dma_wait3A_415 = arith.constant 0 : i32
      %dma_wait3A_416 = arith.constant 0 : i32
      %dma_wait3A_417 = tpu.memref_slice %arg3[%dma_wait3A_415, %dma_wait3A_416] : memref<1000000x96xf32, #tpu.memory_space<hbm>> -> memref<1x96xf32, #tpu.memory_space<hbm>>
      %dma_wait3A_418 = arith.constant 0 : i32
      %dma_wait3A_419 = arith.constant 0 : i32
      %dma_wait3A_420 = tpu.memref_slice %arg6[%dma_wait3A_418, %dma_wait3A_419] : memref<512x96xf32, #tpu.memory_space<vmem>> -> memref<32x96xf32, #tpu.memory_space<vmem>>
      %dma_wait3A_421 = arith.constant 22 : i32
      %dma_wait3A_422 = arith.constant 0 : i32
      %dma_wait3A_423 = tpu.memref_slice %dma_wait3A_420[%dma_wait3A_421, %dma_wait3A_422] : memref<32x96xf32, #tpu.memory_space<vmem>> -> memref<1x96xf32, #tpu.memory_space<vmem>>
      %dma_wait3A_424 = arith.constant 0 : i32
      %dma_wait3A_425 = arith.constant 0 : i32
      %dma_wait3A_426 = tpu.memref_slice %arg3[%dma_wait3A_424, %dma_wait3A_425] : memref<1000000x96xf32, #tpu.memory_space<hbm>> -> memref<1x96xf32, #tpu.memory_space<hbm>>
      tpu.wait_dma2 semaphore(%arg7 : memref<!tpu.dma_semaphore, #tpu.memory_space<semaphore_mem>>) src(%dma_wait3A_426 : memref<1x96xf32, #tpu.memory_space<hbm>>) dst(%dma_wait3A_423 : memref<1x96xf32, #tpu.memory_space<vmem>>)
      %dma_wait3A_427 = arith.constant 0 : i32
      %dma_wait3A_428 = arith.constant 0 : i32
      %dma_wait3A_429 = tpu.memref_slice %arg6[%dma_wait3A_427, %dma_wait3A_428] : memref<512x96xf32, #tpu.memory_space<vmem>> -> memref<32x96xf32, #tpu.memory_space<vmem>>
      %dma_wait3A_430 = arith.constant 23 : i32
      %dma_wait3A_431 = arith.constant 0 : i32
      %dma_wait3A_432 = tpu.memref_slice %dma_wait3A_429[%dma_wait3A_430, %dma_wait3A_431] : memref<32x96xf32, #tpu.memory_space<vmem>> -> memref<1x96xf32, #tpu.memory_space<vmem>>
      %dma_wait3A_433 = arith.constant 0 : i32
      %dma_wait3A_434 = arith.constant 0 : i32
      %dma_wait3A_435 = tpu.memref_slice %arg3[%dma_wait3A_433, %dma_wait3A_434] : memref<1000000x96xf32, #tpu.memory_space<hbm>> -> memref<1x96xf32, #tpu.memory_space<hbm>>
      %dma_wait3A_436 = arith.constant 0 : i32
      %dma_wait3A_437 = arith.constant 0 : i32
      %dma_wait3A_438 = tpu.memref_slice %arg6[%dma_wait3A_436, %dma_wait3A_437] : memref<512x96xf32, #tpu.memory_space<vmem>> -> memref<32x96xf32, #tpu.memory_space<vmem>>
      %dma_wait3A_439 = arith.constant 23 : i32
      %dma_wait3A_440 = arith.constant 0 : i32
      %dma_wait3A_441 = tpu.memref_slice %dma_wait3A_438[%dma_wait3A_439, %dma_wait3A_440] : memref<32x96xf32, #tpu.memory_space<vmem>> -> memref<1x96xf32, #tpu.memory_space<vmem>>
      %dma_wait3A_442 = arith.constant 0 : i32
      %dma_wait3A_443 = arith.constant 0 : i32
      %dma_wait3A_444 = tpu.memref_slice %arg3[%dma_wait3A_442, %dma_wait3A_443] : memref<1000000x96xf32, #tpu.memory_space<hbm>> -> memref<1x96xf32, #tpu.memory_space<hbm>>
      tpu.wait_dma2 semaphore(%arg7 : memref<!tpu.dma_semaphore, #tpu.memory_space<semaphore_mem>>) src(%dma_wait3A_444 : memref<1x96xf32, #tpu.memory_space<hbm>>) dst(%dma_wait3A_441 : memref<1x96xf32, #tpu.memory_space<vmem>>)
      %dma_wait3A_445 = arith.constant 0 : i32
      %dma_wait3A_446 = arith.constant 0 : i32
      %dma_wait3A_447 = tpu.memref_slice %arg6[%dma_wait3A_445, %dma_wait3A_446] : memref<512x96xf32, #tpu.memory_space<vmem>> -> memref<32x96xf32, #tpu.memory_space<vmem>>
      %dma_wait3A_448 = arith.constant 24 : i32
      %dma_wait3A_449 = arith.constant 0 : i32
      %dma_wait3A_450 = tpu.memref_slice %dma_wait3A_447[%dma_wait3A_448, %dma_wait3A_449] : memref<32x96xf32, #tpu.memory_space<vmem>> -> memref<1x96xf32, #tpu.memory_space<vmem>>
      %dma_wait3A_451 = arith.constant 0 : i32
      %dma_wait3A_452 = arith.constant 0 : i32
      %dma_wait3A_453 = tpu.memref_slice %arg3[%dma_wait3A_451, %dma_wait3A_452] : memref<1000000x96xf32, #tpu.memory_space<hbm>> -> memref<1x96xf32, #tpu.memory_space<hbm>>
      %dma_wait3A_454 = arith.constant 0 : i32
      %dma_wait3A_455 = arith.constant 0 : i32
      %dma_wait3A_456 = tpu.memref_slice %arg6[%dma_wait3A_454, %dma_wait3A_455] : memref<512x96xf32, #tpu.memory_space<vmem>> -> memref<32x96xf32, #tpu.memory_space<vmem>>
      %dma_wait3A_457 = arith.constant 24 : i32
      %dma_wait3A_458 = arith.constant 0 : i32
      %dma_wait3A_459 = tpu.memref_slice %dma_wait3A_456[%dma_wait3A_457, %dma_wait3A_458] : memref<32x96xf32, #tpu.memory_space<vmem>> -> memref<1x96xf32, #tpu.memory_space<vmem>>
      %dma_wait3A_460 = arith.constant 0 : i32
      %dma_wait3A_461 = arith.constant 0 : i32
      %dma_wait3A_462 = tpu.memref_slice %arg3[%dma_wait3A_460, %dma_wait3A_461] : memref<1000000x96xf32, #tpu.memory_space<hbm>> -> memref<1x96xf32, #tpu.memory_space<hbm>>
      tpu.wait_dma2 semaphore(%arg7 : memref<!tpu.dma_semaphore, #tpu.memory_space<semaphore_mem>>) src(%dma_wait3A_462 : memref<1x96xf32, #tpu.memory_space<hbm>>) dst(%dma_wait3A_459 : memref<1x96xf32, #tpu.memory_space<vmem>>)
      %dma_wait3A_463 = arith.constant 0 : i32
      %dma_wait3A_464 = arith.constant 0 : i32
      %dma_wait3A_465 = tpu.memref_slice %arg6[%dma_wait3A_463, %dma_wait3A_464] : memref<512x96xf32, #tpu.memory_space<vmem>> -> memref<32x96xf32, #tpu.memory_space<vmem>>
      %dma_wait3A_466 = arith.constant 25 : i32
      %dma_wait3A_467 = arith.constant 0 : i32
      %dma_wait3A_468 = tpu.memref_slice %dma_wait3A_465[%dma_wait3A_466, %dma_wait3A_467] : memref<32x96xf32, #tpu.memory_space<vmem>> -> memref<1x96xf32, #tpu.memory_space<vmem>>
      %dma_wait3A_469 = arith.constant 0 : i32
      %dma_wait3A_470 = arith.constant 0 : i32
      %dma_wait3A_471 = tpu.memref_slice %arg3[%dma_wait3A_469, %dma_wait3A_470] : memref<1000000x96xf32, #tpu.memory_space<hbm>> -> memref<1x96xf32, #tpu.memory_space<hbm>>
      %dma_wait3A_472 = arith.constant 0 : i32
      %dma_wait3A_473 = arith.constant 0 : i32
      %dma_wait3A_474 = tpu.memref_slice %arg6[%dma_wait3A_472, %dma_wait3A_473] : memref<512x96xf32, #tpu.memory_space<vmem>> -> memref<32x96xf32, #tpu.memory_space<vmem>>
      %dma_wait3A_475 = arith.constant 25 : i32
      %dma_wait3A_476 = arith.constant 0 : i32
      %dma_wait3A_477 = tpu.memref_slice %dma_wait3A_474[%dma_wait3A_475, %dma_wait3A_476] : memref<32x96xf32, #tpu.memory_space<vmem>> -> memref<1x96xf32, #tpu.memory_space<vmem>>
      %dma_wait3A_478 = arith.constant 0 : i32
      %dma_wait3A_479 = arith.constant 0 : i32
      %dma_wait3A_480 = tpu.memref_slice %arg3[%dma_wait3A_478, %dma_wait3A_479] : memref<1000000x96xf32, #tpu.memory_space<hbm>> -> memref<1x96xf32, #tpu.memory_space<hbm>>
      tpu.wait_dma2 semaphore(%arg7 : memref<!tpu.dma_semaphore, #tpu.memory_space<semaphore_mem>>) src(%dma_wait3A_480 : memref<1x96xf32, #tpu.memory_space<hbm>>) dst(%dma_wait3A_477 : memref<1x96xf32, #tpu.memory_space<vmem>>)
      %dma_wait3A_481 = arith.constant 0 : i32
      %dma_wait3A_482 = arith.constant 0 : i32
      %dma_wait3A_483 = tpu.memref_slice %arg6[%dma_wait3A_481, %dma_wait3A_482] : memref<512x96xf32, #tpu.memory_space<vmem>> -> memref<32x96xf32, #tpu.memory_space<vmem>>
      %dma_wait3A_484 = arith.constant 26 : i32
      %dma_wait3A_485 = arith.constant 0 : i32
      %dma_wait3A_486 = tpu.memref_slice %dma_wait3A_483[%dma_wait3A_484, %dma_wait3A_485] : memref<32x96xf32, #tpu.memory_space<vmem>> -> memref<1x96xf32, #tpu.memory_space<vmem>>
      %dma_wait3A_487 = arith.constant 0 : i32
      %dma_wait3A_488 = arith.constant 0 : i32
      %dma_wait3A_489 = tpu.memref_slice %arg3[%dma_wait3A_487, %dma_wait3A_488] : memref<1000000x96xf32, #tpu.memory_space<hbm>> -> memref<1x96xf32, #tpu.memory_space<hbm>>
      %dma_wait3A_490 = arith.constant 0 : i32
      %dma_wait3A_491 = arith.constant 0 : i32
      %dma_wait3A_492 = tpu.memref_slice %arg6[%dma_wait3A_490, %dma_wait3A_491] : memref<512x96xf32, #tpu.memory_space<vmem>> -> memref<32x96xf32, #tpu.memory_space<vmem>>
      %dma_wait3A_493 = arith.constant 26 : i32
      %dma_wait3A_494 = arith.constant 0 : i32
      %dma_wait3A_495 = tpu.memref_slice %dma_wait3A_492[%dma_wait3A_493, %dma_wait3A_494] : memref<32x96xf32, #tpu.memory_space<vmem>> -> memref<1x96xf32, #tpu.memory_space<vmem>>
      %dma_wait3A_496 = arith.constant 0 : i32
      %dma_wait3A_497 = arith.constant 0 : i32
      %dma_wait3A_498 = tpu.memref_slice %arg3[%dma_wait3A_496, %dma_wait3A_497] : memref<1000000x96xf32, #tpu.memory_space<hbm>> -> memref<1x96xf32, #tpu.memory_space<hbm>>
      tpu.wait_dma2 semaphore(%arg7 : memref<!tpu.dma_semaphore, #tpu.memory_space<semaphore_mem>>) src(%dma_wait3A_498 : memref<1x96xf32, #tpu.memory_space<hbm>>) dst(%dma_wait3A_495 : memref<1x96xf32, #tpu.memory_space<vmem>>)
      %dma_wait3A_499 = arith.constant 0 : i32
      %dma_wait3A_500 = arith.constant 0 : i32
      %dma_wait3A_501 = tpu.memref_slice %arg6[%dma_wait3A_499, %dma_wait3A_500] : memref<512x96xf32, #tpu.memory_space<vmem>> -> memref<32x96xf32, #tpu.memory_space<vmem>>
      %dma_wait3A_502 = arith.constant 27 : i32
      %dma_wait3A_503 = arith.constant 0 : i32
      %dma_wait3A_504 = tpu.memref_slice %dma_wait3A_501[%dma_wait3A_502, %dma_wait3A_503] : memref<32x96xf32, #tpu.memory_space<vmem>> -> memref<1x96xf32, #tpu.memory_space<vmem>>
      %dma_wait3A_505 = arith.constant 0 : i32
      %dma_wait3A_506 = arith.constant 0 : i32
      %dma_wait3A_507 = tpu.memref_slice %arg3[%dma_wait3A_505, %dma_wait3A_506] : memref<1000000x96xf32, #tpu.memory_space<hbm>> -> memref<1x96xf32, #tpu.memory_space<hbm>>
      %dma_wait3A_508 = arith.constant 0 : i32
      %dma_wait3A_509 = arith.constant 0 : i32
      %dma_wait3A_510 = tpu.memref_slice %arg6[%dma_wait3A_508, %dma_wait3A_509] : memref<512x96xf32, #tpu.memory_space<vmem>> -> memref<32x96xf32, #tpu.memory_space<vmem>>
      %dma_wait3A_511 = arith.constant 27 : i32
      %dma_wait3A_512 = arith.constant 0 : i32
      %dma_wait3A_513 = tpu.memref_slice %dma_wait3A_510[%dma_wait3A_511, %dma_wait3A_512] : memref<32x96xf32, #tpu.memory_space<vmem>> -> memref<1x96xf32, #tpu.memory_space<vmem>>
      %dma_wait3A_514 = arith.constant 0 : i32
      %dma_wait3A_515 = arith.constant 0 : i32
      %dma_wait3A_516 = tpu.memref_slice %arg3[%dma_wait3A_514, %dma_wait3A_515] : memref<1000000x96xf32, #tpu.memory_space<hbm>> -> memref<1x96xf32, #tpu.memory_space<hbm>>
      tpu.wait_dma2 semaphore(%arg7 : memref<!tpu.dma_semaphore, #tpu.memory_space<semaphore_mem>>) src(%dma_wait3A_516 : memref<1x96xf32, #tpu.memory_space<hbm>>) dst(%dma_wait3A_513 : memref<1x96xf32, #tpu.memory_space<vmem>>)
      %dma_wait3A_517 = arith.constant 0 : i32
      %dma_wait3A_518 = arith.constant 0 : i32
      %dma_wait3A_519 = tpu.memref_slice %arg6[%dma_wait3A_517, %dma_wait3A_518] : memref<512x96xf32, #tpu.memory_space<vmem>> -> memref<32x96xf32, #tpu.memory_space<vmem>>
      %dma_wait3A_520 = arith.constant 28 : i32
      %dma_wait3A_521 = arith.constant 0 : i32
      %dma_wait3A_522 = tpu.memref_slice %dma_wait3A_519[%dma_wait3A_520, %dma_wait3A_521] : memref<32x96xf32, #tpu.memory_space<vmem>> -> memref<1x96xf32, #tpu.memory_space<vmem>>
      %dma_wait3A_523 = arith.constant 0 : i32
      %dma_wait3A_524 = arith.constant 0 : i32
      %dma_wait3A_525 = tpu.memref_slice %arg3[%dma_wait3A_523, %dma_wait3A_524] : memref<1000000x96xf32, #tpu.memory_space<hbm>> -> memref<1x96xf32, #tpu.memory_space<hbm>>
      %dma_wait3A_526 = arith.constant 0 : i32
      %dma_wait3A_527 = arith.constant 0 : i32
      %dma_wait3A_528 = tpu.memref_slice %arg6[%dma_wait3A_526, %dma_wait3A_527] : memref<512x96xf32, #tpu.memory_space<vmem>> -> memref<32x96xf32, #tpu.memory_space<vmem>>
      %dma_wait3A_529 = arith.constant 28 : i32
      %dma_wait3A_530 = arith.constant 0 : i32
      %dma_wait3A_531 = tpu.memref_slice %dma_wait3A_528[%dma_wait3A_529, %dma_wait3A_530] : memref<32x96xf32, #tpu.memory_space<vmem>> -> memref<1x96xf32, #tpu.memory_space<vmem>>
      %dma_wait3A_532 = arith.constant 0 : i32
      %dma_wait3A_533 = arith.constant 0 : i32
      %dma_wait3A_534 = tpu.memref_slice %arg3[%dma_wait3A_532, %dma_wait3A_533] : memref<1000000x96xf32, #tpu.memory_space<hbm>> -> memref<1x96xf32, #tpu.memory_space<hbm>>
      tpu.wait_dma2 semaphore(%arg7 : memref<!tpu.dma_semaphore, #tpu.memory_space<semaphore_mem>>) src(%dma_wait3A_534 : memref<1x96xf32, #tpu.memory_space<hbm>>) dst(%dma_wait3A_531 : memref<1x96xf32, #tpu.memory_space<vmem>>)
      %dma_wait3A_535 = arith.constant 0 : i32
      %dma_wait3A_536 = arith.constant 0 : i32
      %dma_wait3A_537 = tpu.memref_slice %arg6[%dma_wait3A_535, %dma_wait3A_536] : memref<512x96xf32, #tpu.memory_space<vmem>> -> memref<32x96xf32, #tpu.memory_space<vmem>>
      %dma_wait3A_538 = arith.constant 29 : i32
      %dma_wait3A_539 = arith.constant 0 : i32
      %dma_wait3A_540 = tpu.memref_slice %dma_wait3A_537[%dma_wait3A_538, %dma_wait3A_539] : memref<32x96xf32, #tpu.memory_space<vmem>> -> memref<1x96xf32, #tpu.memory_space<vmem>>
      %dma_wait3A_541 = arith.constant 0 : i32
      %dma_wait3A_542 = arith.constant 0 : i32
      %dma_wait3A_543 = tpu.memref_slice %arg3[%dma_wait3A_541, %dma_wait3A_542] : memref<1000000x96xf32, #tpu.memory_space<hbm>> -> memref<1x96xf32, #tpu.memory_space<hbm>>
      %dma_wait3A_544 = arith.constant 0 : i32
      %dma_wait3A_545 = arith.constant 0 : i32
      %dma_wait3A_546 = tpu.memref_slice %arg6[%dma_wait3A_544, %dma_wait3A_545] : memref<512x96xf32, #tpu.memory_space<vmem>> -> memref<32x96xf32, #tpu.memory_space<vmem>>
      %dma_wait3A_547 = arith.constant 29 : i32
      %dma_wait3A_548 = arith.constant 0 : i32
      %dma_wait3A_549 = tpu.memref_slice %dma_wait3A_546[%dma_wait3A_547, %dma_wait3A_548] : memref<32x96xf32, #tpu.memory_space<vmem>> -> memref<1x96xf32, #tpu.memory_space<vmem>>
      %dma_wait3A_550 = arith.constant 0 : i32
      %dma_wait3A_551 = arith.constant 0 : i32
      %dma_wait3A_552 = tpu.memref_slice %arg3[%dma_wait3A_550, %dma_wait3A_551] : memref<1000000x96xf32, #tpu.memory_space<hbm>> -> memref<1x96xf32, #tpu.memory_space<hbm>>
      tpu.wait_dma2 semaphore(%arg7 : memref<!tpu.dma_semaphore, #tpu.memory_space<semaphore_mem>>) src(%dma_wait3A_552 : memref<1x96xf32, #tpu.memory_space<hbm>>) dst(%dma_wait3A_549 : memref<1x96xf32, #tpu.memory_space<vmem>>)
      %dma_wait3A_553 = arith.constant 0 : i32
      %dma_wait3A_554 = arith.constant 0 : i32
      %dma_wait3A_555 = tpu.memref_slice %arg6[%dma_wait3A_553, %dma_wait3A_554] : memref<512x96xf32, #tpu.memory_space<vmem>> -> memref<32x96xf32, #tpu.memory_space<vmem>>
      %dma_wait3A_556 = arith.constant 30 : i32
      %dma_wait3A_557 = arith.constant 0 : i32
      %dma_wait3A_558 = tpu.memref_slice %dma_wait3A_555[%dma_wait3A_556, %dma_wait3A_557] : memref<32x96xf32, #tpu.memory_space<vmem>> -> memref<1x96xf32, #tpu.memory_space<vmem>>
      %dma_wait3A_559 = arith.constant 0 : i32
      %dma_wait3A_560 = arith.constant 0 : i32
      %dma_wait3A_561 = tpu.memref_slice %arg3[%dma_wait3A_559, %dma_wait3A_560] : memref<1000000x96xf32, #tpu.memory_space<hbm>> -> memref<1x96xf32, #tpu.memory_space<hbm>>
      %dma_wait3A_562 = arith.constant 0 : i32
      %dma_wait3A_563 = arith.constant 0 : i32
      %dma_wait3A_564 = tpu.memref_slice %arg6[%dma_wait3A_562, %dma_wait3A_563] : memref<512x96xf32, #tpu.memory_space<vmem>> -> memref<32x96xf32, #tpu.memory_space<vmem>>
      %dma_wait3A_565 = arith.constant 30 : i32
      %dma_wait3A_566 = arith.constant 0 : i32
      %dma_wait3A_567 = tpu.memref_slice %dma_wait3A_564[%dma_wait3A_565, %dma_wait3A_566] : memref<32x96xf32, #tpu.memory_space<vmem>> -> memref<1x96xf32, #tpu.memory_space<vmem>>
      %dma_wait3A_568 = arith.constant 0 : i32
      %dma_wait3A_569 = arith.constant 0 : i32
      %dma_wait3A_570 = tpu.memref_slice %arg3[%dma_wait3A_568, %dma_wait3A_569] : memref<1000000x96xf32, #tpu.memory_space<hbm>> -> memref<1x96xf32, #tpu.memory_space<hbm>>
      tpu.wait_dma2 semaphore(%arg7 : memref<!tpu.dma_semaphore, #tpu.memory_space<semaphore_mem>>) src(%dma_wait3A_570 : memref<1x96xf32, #tpu.memory_space<hbm>>) dst(%dma_wait3A_567 : memref<1x96xf32, #tpu.memory_space<vmem>>)
      %dma_wait3A_571 = arith.constant 0 : i32
      %dma_wait3A_572 = arith.constant 0 : i32
      %dma_wait3A_573 = tpu.memref_slice %arg6[%dma_wait3A_571, %dma_wait3A_572] : memref<512x96xf32, #tpu.memory_space<vmem>> -> memref<32x96xf32, #tpu.memory_space<vmem>>
      %dma_wait3A_574 = arith.constant 31 : i32
      %dma_wait3A_575 = arith.constant 0 : i32
      %dma_wait3A_576 = tpu.memref_slice %dma_wait3A_573[%dma_wait3A_574, %dma_wait3A_575] : memref<32x96xf32, #tpu.memory_space<vmem>> -> memref<1x96xf32, #tpu.memory_space<vmem>>
      %dma_wait3A_577 = arith.constant 0 : i32
      %dma_wait3A_578 = arith.constant 0 : i32
      %dma_wait3A_579 = tpu.memref_slice %arg3[%dma_wait3A_577, %dma_wait3A_578] : memref<1000000x96xf32, #tpu.memory_space<hbm>> -> memref<1x96xf32, #tpu.memory_space<hbm>>
      %dma_wait3A_580 = arith.constant 0 : i32
      %dma_wait3A_581 = arith.constant 0 : i32
      %dma_wait3A_582 = tpu.memref_slice %arg6[%dma_wait3A_580, %dma_wait3A_581] : memref<512x96xf32, #tpu.memory_space<vmem>> -> memref<32x96xf32, #tpu.memory_space<vmem>>
      %dma_wait3A_583 = arith.constant 31 : i32
      %dma_wait3A_584 = arith.constant 0 : i32
      %dma_wait3A_585 = tpu.memref_slice %dma_wait3A_582[%dma_wait3A_583, %dma_wait3A_584] : memref<32x96xf32, #tpu.memory_space<vmem>> -> memref<1x96xf32, #tpu.memory_space<vmem>>
      %dma_wait3A_586 = arith.constant 0 : i32
      %dma_wait3A_587 = arith.constant 0 : i32
      %dma_wait3A_588 = tpu.memref_slice %arg3[%dma_wait3A_586, %dma_wait3A_587] : memref<1000000x96xf32, #tpu.memory_space<hbm>> -> memref<1x96xf32, #tpu.memory_space<hbm>>
      tpu.wait_dma2 semaphore(%arg7 : memref<!tpu.dma_semaphore, #tpu.memory_space<semaphore_mem>>) src(%dma_wait3A_588 : memref<1x96xf32, #tpu.memory_space<hbm>>) dst(%dma_wait3A_585 : memref<1x96xf32, #tpu.memory_space<vmem>>)
    }
    %scan3A_8 = arith.constant 16 : i32
    "tpu.trace_stop"() : () -> ()
    "tpu.trace_start"() <{level = 10 : i32, message = "writeback"}> : () -> ()
    "tpu.region"() ({
      %run_scoped3A = tpu.sem_alloc : memref<!tpu.dma_semaphore, #tpu.memory_space<semaphore_mem>>
      %dma_start3A = arith.constant 0 : i32
      %dma_start3A_9 = tpu.memref_slice %arg4[%mul3A_2, %dma_start3A] : memref<16384x96xf32, #tpu.memory_space<hbm>> -> memref<512x96xf32, #tpu.memory_space<hbm>>
      %dma_start3A_10 = arith.constant 0 : i32
      %dma_start3A_11 = tpu.memref_slice %arg4[%mul3A_2, %dma_start3A_10] : memref<16384x96xf32, #tpu.memory_space<hbm>> -> memref<512x96xf32, #tpu.memory_space<hbm>>
      tpu.enqueue_dma source(%arg6 : memref<512x96xf32, #tpu.memory_space<vmem>>) target(%dma_start3A_11 : memref<512x96xf32, #tpu.memory_space<hbm>>) target_semaphore(%run_scoped3A : memref<!tpu.dma_semaphore, #tpu.memory_space<semaphore_mem>>)
      %dma_wait3A = arith.constant 0 : i32
      %dma_wait3A_12 = tpu.memref_slice %arg4[%mul3A_2, %dma_wait3A] : memref<16384x96xf32, #tpu.memory_space<hbm>> -> memref<512x96xf32, #tpu.memory_space<hbm>>
      %dma_wait3A_13 = arith.constant 0 : i32
      %dma_wait3A_14 = tpu.memref_slice %arg4[%mul3A_2, %dma_wait3A_13] : memref<16384x96xf32, #tpu.memory_space<hbm>> -> memref<512x96xf32, #tpu.memory_space<hbm>>
      tpu.wait_dma2 semaphore(%run_scoped3A : memref<!tpu.dma_semaphore, #tpu.memory_space<semaphore_mem>>) src(%arg6 : memref<512x96xf32, #tpu.memory_space<vmem>>) dst(%dma_wait3A_14 : memref<512x96xf32, #tpu.memory_space<hbm>>)
      tpu.yield
    }) : () -> ()
    "tpu.trace_stop"() : () -> ()
    return
  }
}

</mosaic_0001>

<sc_bundles>
// kernel: kernel.3.cloned.1.call-start
scs
__scs_entry_jumppad:
0x0: {  	(pc) =	sbr.rel $0x88, $3  }
0x1: {  	(tag) =	ssettag $0x0;
	lr =	simm.s32 $0x1  }
0x2: {  	[smem:$0x3F9F] =	sst lr;
	_ =	strace $0xD0000000  }
0x3: {  	_ = 	snop  }
0x4: {  	_ = 	snop  }
0x5: {  	_ = 	snop  }
0x6: {  	_ = 	snop  }
0x7: {  	_ = 	snop  }
__scs_overlays_trampoline_lowered:
0x8: {  	[smem:$0x3FAE] =	sst s0  }
0x9: {  	[smem:$0x3FAF] =	sst s1  }
0xa: {  	[smem:$0x3FB0] =	sst s2  }
0xb: {  	[smem:$0x3FB1] =	sst s3  }
0xc: {  	[smem:$0x3FB2] =	sst s4  }
0xd: {  	[smem:$0x3FB3] =	sst s5  }
0xe: {  	[smem:$0x3FB4] =	sst s6  }
0xf: {  	[smem:$0x3FB5] =	sst s7  }
0x10: {  	[smem:$0x3FB6] =	sst s8  }
0x11: {  	[smem:$0x3FB7] =	sst s9;
	s0 =	simm.s32 @!p0 $0x0  }
0x12: {  	s1 =	sld [smem:$0x3F9D];
	s0 =	simm.s32 @p0 $0x1  }
0x13: {  	[smem:$0x3FB8] =	sst s0;
	s0 =	simm.s32 @!p1 $0x0  }
0x14: {  	s2 =	sld [smem:$0x3F9C];
	s0 =	simm.s32 @p1 $0x1  }
0x15: {  	[smem:$0x3FB9] =	sst s0;
	s0 =	simm.s32 @!p2 $0x0  }
0x16: {  	s3 =	sld [smem:$0x3FDB];
	s0 =	simm.s32 @p2 $0x1  }
0x17: {  	s4 =	simm.s32 $0x1BF5;
	[smem:$0x3FBB] =	sst s0  }
0x18: {  	s0 =	sld [smem:$0x3F9E];
	_ =	swait.ge [sflag:s4], $0x0  }
0x19: {  	s7 =	sld [smem:$0x3F9F]  }
0x1a: {  	s8 =	sadd.s32 $0xFFFFE003, lr  }
0x1b: {  	s9 =	sadd.s32 $0xFFFFFEF7, lr;
	s5 =	simm.s32 $0xFFFFFFFF;
	p2 =	slt.u32 s8, $0xFFFFF086  }
0x1c: {  	p1 =	slt.u32 s9, $0xF7A;
	s5 =	simm.s32 @!p2 $0x0  }
0x1d: {  	s5 =	simm.s32 @p1 $0x1;
	p0 =	seq.s32 s7, s2  }
0x1e: {  	s7 =	smul.u32 @!p0 $0xF7A, s2;
	p2 =	seq.s32 @!p0 s5, $0x0  }
0x1f: {  	s9 =	smul.u32 $0xF7A, s1;
	s8 =	simm.s32 @!p0 $0x1BF5;
	p2 =	por !p2, p0  }
0x20: {  	[sflag:s8] =	ssyncset.s32 @!p0 $0xFFFFF086;
	s6 =	sadd.s32 @!p0 s3, s7;
	s7 =	simm.s32 @!p0 $0x108  }
0x21: {  	s3 =	sadd.s32 s3, s9;
	s6 =	sadd.s32 @!p0 $0x88, s6;
	s7 =	simm.s32 @p2 $0x1082  }
0x22: {  	[simem:s7], [sflag:s8] =	dma.local @!p0 [hbm:s6], $0xF7A  }
0x23: {  	s9 =	sor.u32 $0xD0000000, s2;
	s6 =	simm.s32 $0x108;
	_ =	swait.ge @!p0 [sflag:s8], $0x0  }
0x24: {  	s3 =	sadd.s32 $0x88, s3;
	s6 =	simm.s32 @!p1 $0x1082;
	[sflag:s4] =	ssyncset.s32 $0xFFFFF086  }
0x25: {  	[simem:s6], [sflag:s4] =	dma.local [hbm:s3], $0xF7A  }
0x26: {  	[smem:$0x3F9F] =	sst s1;
	(tag) =	ssettag s2;
	_ =	strace s9  }
0x27: {  	s1 =	sld [smem:$0x3FAF]  }
0x28: {  	s2 =	sld [smem:$0x3FB0]  }
0x29: {  	s4 =	sld [smem:$0x3FB2]  }
0x2a: {  	p0 =	seq.s32 s5, $0x0;
	s5 =	sld [smem:$0x3FB3]  }
0x2b: {  	s6 =	sld [smem:$0x3FB4]  }
0x2c: {  	s7 =	sld [smem:$0x3FB5]  }
0x2d: {  	s3 =	simm.s32 $0x108;
	s8 =	sld [smem:$0x3FB6]  }
0x2e: {  	s3 =	simm.s32 @!p0 $0x1082;
	s9 =	sld [smem:$0x3FB7]  }
0x2f: {  	lr =	sadd.s32 s0, s3;
	s0 =	sld [smem:$0x3FAE]  }
0x30: {  	s3 =	sld [smem:$0x3FB1]  }
0x31: {  	[smem:$0x3FBA] =	sst s10  }
0x32: {  	s10 =	sld [smem:$0x3FB8];
	_ =	sdelay $0x3  }
0x33: {  	p0 =	seq.s32 s10, $0x1;
	s10 =	sld [smem:$0x3FBA];
	_ =	sdelay $0x3  }
0x34: {  	[smem:$0x3FBA] =	sst s10  }
0x35: {  	s10 =	sld [smem:$0x3FB9];
	_ =	sdelay $0x3  }
0x36: {  	p1 =	seq.s32 s10, $0x1;
	s10 =	sld [smem:$0x3FBA];
	_ =	sdelay $0x3  }
0x37: {  	[smem:$0x3FBA] =	sst s10  }
0x38: {  	s10 =	sld [smem:$0x3FBB]  }
0x39: {  	_ = 	snop;
	(pc) =	sbr.ind lr, $3  }
0x3a: {  	_ = 	snop  }
0x3b: {  	_ = 	snop  }
0x3c: {  	p2 =	seq.s32 s10, $0x1;
	s10 =	sld [smem:$0x3FBA]  }
0x3d: {  	_ =	shalt  }
0x3e: {  	_ =	shalt  }
0x3f: {  	_ =	shalt  }
0x40: {  	_ =	shalt  }
0x41: {  	_ =	shalt  }
0x42: {  	_ =	shalt  }
0x43: {  	_ =	shalt  }
0x44: {  	_ =	shalt  }
0x45: {  	_ =	shalt  }
0x46: {  	_ =	shalt  }
0x47: {  	_ =	shalt  }
0x48: {  	_ =	shalt  }
0x49: {  	_ =	shalt  }
0x4a: {  	_ =	shalt  }
0x4b: {  	_ =	shalt  }
0x4c: {  	_ =	shalt  }
0x4d: {  	_ =	shalt  }
0x4e: {  	_ =	shalt  }
0x4f: {  	_ =	shalt  }
0x50: {  	_ =	shalt  }
0x51: {  	_ =	shalt  }
0x52: {  	_ =	shalt  }
0x53: {  	_ =	shalt  }
0x54: {  	_ =	shalt  }
0x55: {  	_ =	shalt  }
0x56: {  	_ =	shalt  }
0x57: {  	_ =	shalt  }
0x58: {  	_ =	shalt  }
0x59: {  	_ =	shalt  }
0x5a: {  	_ =	shalt  }
0x5b: {  	_ =	shalt  }
0x5c: {  	_ =	shalt  }
0x5d: {  	_ =	shalt  }
0x5e: {  	_ =	shalt  }
0x5f: {  	_ =	shalt  }
0x60: {  	_ =	shalt  }
0x61: {  	_ =	shalt  }
0x62: {  	_ =	shalt  }
0x63: {  	_ =	shalt  }
0x64: {  	_ =	shalt  }
0x65: {  	_ =	shalt  }
0x66: {  	_ =	shalt  }
0x67: {  	_ =	shalt  }
0x68: {  	_ =	shalt  }
0x69: {  	_ =	shalt  }
0x6a: {  	_ =	shalt  }
0x6b: {  	_ =	shalt  }
0x6c: {  	_ =	shalt  }
0x6d: {  	_ =	shalt  }
0x6e: {  	_ =	shalt  }
0x6f: {  	_ =	shalt  }
0x70: {  	_ =	shalt  }
0x71: {  	_ =	shalt  }
0x72: {  	_ =	shalt  }
0x73: {  	_ =	shalt  }
0x74: {  	_ =	shalt  }
0x75: {  	_ =	shalt  }
0x76: {  	_ =	shalt  }
0x77: {  	_ =	shalt  }
0x78: {  	_ =	shalt  }
0x79: {  	_ =	shalt  }
0x7a: {  	_ =	shalt  }
0x7b: {  	_ =	shalt  }
0x7c: {  	_ =	shalt  }
0x7d: {  	_ =	shalt  }
0x7e: {  	_ =	shalt  }
0x7f: {  	_ =	shalt  }
0x80: {  	_ =	shalt  }
0x81: {  	_ =	shalt  }
0x82: {  	_ =	shalt  }
0x83: {  	_ =	shalt  }
0x84: {  	_ =	shalt  }
0x85: {  	_ =	shalt  }
0x86: {  	_ =	shalt  }
0x87: {  	_ =	shalt  }
.Lfunc_end0:
.L_simem_size_0:
called_computation_lowered:
.L_overlay_start_0:
0x88: {  	s2 =	sld [smem:$0x3FD9]  }
0x89: {  	s3 =	sld [smem:$0x3FFE];
	_ =	sdelay $0x1  }
0x8a: {  	s1 =	srdreg.scid  }
0x8b: {  	s0 =	sand.u32 $0x1, s1  }
0x8c: {  	s17 =	sshll.u32 s0, $0xA;
	s2 =	sadd.s32 s3, s2  }
0x8d: {  	s2 =	sadd.s32 s2, s17  }
0x8e: {  	[smem:$0x3FC6] =	sst s2  }
0x8f: {  	_ = 	snop  }
0x90: {  	s2 =	sld [smem:$0x3FC9];
	(tm) =	ssettm $0x1  }
0x91: {  	s18 =	sld [smem:$0x3FFB];
	_ =	sdelay $0x3  }
0x92: {  	_ =	strace s18  }
0x93: {  	s3 =	sld [smem:$0x3FFC];
	_ =	sdelay $0x3  }
0x94: {  	_ =	strace s3  }
0x95: {  	s3 =	sld [smem:$0x3FFD];
	_ =	sdelay $0x3  }
0x96: {  	_ =	strace s3  }
0x97: {  	_ =	strace $0x8FFFFFFF  }
0x98: {  	s19 =	sld [smem:$0x3FDB];
	_ =	sdelay $0x1  }
0x99: {  	s4 =	simm.s32 $_scs_section_size  }
0x9a: {  	s5 =	simm.s32 $_size__tile_overlayer_lowered;
	s6 =	simm.s32 $_tile_overlayer_lowered  }
0x9b: {  	s22 =	simm.s32 $0x1BFF;
	s21 =	sshll.u32 s6, $0x1;
	s3 =	sadd.s32 s4, s19  }
0x9c: {  	s7 =	simm.s32 $0x0;
	s20 =	sshll.u32 s5, $0x1;
	s5 =	sadd.s32 s21, s3  }
0x9d: {  	[timem:s7], [sflag:s22] =	dma.local [hbm:s5], s20  }
0x9e: {  	_ =	swait.ge [sflag:s22], s20  }
0x9f: {  	s4 =	ssub.s32 $0x0, s20;
	[sflag:s22] =	ssyncset.done $0x0  }
0xa0: {  	[sflag:s22] =	ssyncadd.s32 s4;
	_ =	sdelay $0x1  }
0xa1: {  	s23 =	simm.s32 $0x1B8B  }
0xa2: {  	_ =	swait.ge [sflag:s23], $0x1  }
0xa3: {  	[sflag:s23] =	ssyncset.done $0x0  }
0xa4: {  	s25 =	simm.s32 $0x1B8E;
	s24 =	sld [smem:$0x3FFE];
	[sflag:s23] =	ssyncadd.s32 $0xFFFFFFFF  }
0xa5: {  	s26 =	simm.s32 $execute0_lowered;
	[smem:$0x3FD2] =	sst s25  }
0xa6: {  	s5 =	sshll.u32 s26, $0x1;
	_ =	strace $0x80000046;
	[dreg:$0x1] =	wrdreg $0xFFFFFFFF  }
0xa7: {  	s28 =	simm.s32 $_size_execute0_lowered;
	s3 =	sadd.s32 s3, s5;
	[dreg:$0x0] =	wrdreg $0x0  }
0xa8: {  	s5 =	sshll.u32 s28, $0x1;
	[dreg:$0x2] =	wrdreg s3  }
0xa9: {  	[dreg:$0x3] =	wrdreg s5  }
0xaa: {  	[dreg:$0x4] =	wrdreg $0xC0  }
0xab: {  	_ =	task [dreg:s7], $0x5FFFF  }
0xac: {  	[dreg:$0x1] =	wrdreg $0xFFFFFFFF  }
0xad: {  	[dreg:$0x0] =	wrdreg $0x60  }
0xae: {  	[dreg:$0x2] =	wrdreg s2  }
0xaf: {  	[dreg:$0x3] =	wrdreg s24  }
0xb0: {  	[dreg:$0x4] =	wrdreg $0x9  }
0xb1: {  	_ =	task.clear_ibuf [dreg:s7], $0x5FFFF;
	_ =	strace $0x90000046  }
0xb2: {  	s29 =	simm.s32 $0x9;
	_ =	strace $0x8000004C  }
0xb3: {  	_ =	swait.ge [sflag:s29], $0x1  }
0xb4: {  	[sflag:s29] =	ssyncadd.s32 $0xFFFFFFFF  }
0xb5: {  	_ =	strace $0x9000004C  }
0xb6: {  	_ =	sfence  }
0xb7: {  	s30 =	sld [smem:$0x0];
	_ =	sdelay $0x2  }
0xb8: {  	s31 =	sshll.u32 s1, $0xD;
	s1 =	sshrl.u32 s1, $0x2  }
0xb9: {  	s3 =	sand.u32 $0x4000, s31;
	s1 =	sadd.s32 s1, s30  }
0xba: {  	s0 =	sor.u32 s3, s0;
	s1 =	sshll.u32 s1, $0x11  }
0xbb: {  	s0 =	sor.u32 s1, s0  }
0xbc: {  	s0 =	sadd.s32 $0x8F2B, s0  }
0xbd: {  	[sflag:s0] =	ssyncadd.remote.s32 $0x1  }
0xbe: {  	_ =	sfence.sel $0xFFFF  }
0xbf: {  	[dreg:$0x0] =	wrdreg $0xFFFFFFFF;
	(pc) =	sbr.abs _section_cstart, $3  }
0xc0: {  	[dreg:$0x1] =	wrdreg $0xFFFFFFFF  }
0xc1: {  	_ =	task.clear_ibuf [dreg:s7], $0x2FFFF;
	_ =	strace $0x9FFFFFFF  }
0xc2: {  	(tm) =	ssettm $0x7FFFFFFF  }
0xc3: {  	_ =	shalt  }
tec
execute0_lowered:
.L_overlay_start_1:
0x0: {  	(tag) =	ssettag $0x1  }
0x1: {  	s0 =	rddreg [dreg:$0x0]  }
0x2: {  	s1 =	rddreg [dreg:$0x1];
	s3 =	srdreg.scid  }
0x3: {  	s2 =	simm.s32 $0x0;
	s5 =	stileid.u32;
	s4 =	sand.u32 $0x1, s3  }
0x4: {  	[smem:$0x7FF] =	sst s2;
	s5 =	sshll.u32 s5, $0xA;
	s6 =	sshll.u32 s4, $0x9  }
0x5: {  	s3 =	sadd.s32 $0x400, s1;
	s4 =	ssub.s32 $0x2, s4;
	s5 =	sor.u32 s6, s5  }
0x6: {  	s7 =	sshrl.u32 s4, $0x1;
	s6 =	sshll.u32 s5, $0x4;
	s5 =	sshrl.u32 s5, $0x3  }
0x7: {  	_ =	strace $0x80000047;
	s4 =	ssub.s32 s4, s7;
	s0 =	sadd.s32 s0, s5  }
0x8: {  	s1 =	sadd.s32 s6, s1;
	s31 =	smax.u32 s4, $0x1;
	[dreg:$0xc] =	wrdreg s0  }
0x9: {  	s8 =	simm.s32 $0x1;
	s30 =	sadd.s32 $0xF42800, s1;
	[dreg:$0xe] =	wrdreg s31  }
0xa: {  	s4 =	simm.s32 $0x0;
	s1 =	simm.s32 $0x2;
	[dreg:$0xd] =	wrdreg s30  }
.LBB2_1:
0xb: {  	[dreg:$0xf] =	wrdreg s4  }
0xc: {  	_ =	strace $0x80000048  }
0xd: {  	s0 =	rddreg [dreg:$0xc]  }
0xe: {  	[tilespmem:s2], [sflag:$0x2] =	stream.linear.gather [hbm4b:s0+s2], $0x200, $0x200038;
	[tilespmem:$0x10200] =	vst v63  }
0xf: {  	_ =	swait.ge [sflag:s1], $0x200  }
0x10: {  	[sflag:s1] =	ssyncset.done $0x0  }
0x11: {  	[sflag:s1] =	ssyncadd.s32 $0xFFFFFE00  }
0x12: {  	_ =	strace $0x90000048  }
0x13: {  	s14 =	simm.s32 $0x10;
	_ =	strace $0x80000049  }
0x14: {  	v0 =	vld [tilespmem:s14+$0xFFFFFFF0];
	_ =	sdelay $0x4  }
0x15: {  	v0 =	vshll.u32 v0, $0x4  }
0x16: {  	(v2sf) =	vpush v0, $0x0;
	_ =	sdelay $0x1  }
0x17: {  	(v2sf) =	vpush v0, $0x1  }
0x18: {  	(v2sf) =	vpush v0, $0x2;
	_ =	sdelay $0x1  }
0x19: {  	(v2sf) =	vpush v0, $0x3  }
0x1a: {  	(v2sf) =	vpush v0, $0x4;
	_ =	sdelay $0x1  }
0x1b: {  	(v2sf) =	vpush v0, $0x5;
	_ =	sdelay $0x1  }
0x1c: {  	(v2sf) =	vpush v0, $0x6;
	_ =	sdelay $0x1  }
0x1d: {  	s26 =	simm.s32 $0x4000;
	s12 =	simm.s32 $0x0  }
0x1e: {  	s20 =	simm.s32 $0x1000;
	s25 =	simm.s32 $0x1080;
	s15 =	simm.s32 $0xE00  }
0x1f: {  	s16 =	simm.s32 $0xC80;
	s18 =	simm.s32 $0x200;
	s19 =	simm.s32 $0x280  }
0x20: {  	s24 =	simm.s32 $0x300;
	s30 =	simm.s32 $0x380;
	s17 =	spop (v2sf)  }
0x21: {  	s9 =	simm.s32 $0x480;
	s13 =	simm.s32 $0x500;
	(v2sf) =	vpush v0, $0x7;
	s1 =	sand.u32 $0x1FFFFFF0, s17  }
0x22: {  	s5 =	spop (v2sf);
	s17 =	simm.s32 $0x580;
	s1 =	sadd.s32 s3, s1  }
0x23: {  	(v2sf) =	vpush v0, $0x8;
	s21 =	sand.u32 $0x1FFFFFF0, s5;
	s22 =	spop (v2sf);
	s5 =	simm.s32 $0x400  }
0x24: {  	v1 =	vld [tilespmem:s14+$0x0];
	(v2sf) =	vpush v0, $0x9;
	[tilespmem:s18], [sflag:$0x1] =	stream.linear.gather [hbm4b:s1+s2], $0x80, $0x200038  }
0x25: {  	s1 =	sadd.s32 s3, s21;
	s4 =	sand.u32 $0x1FFFFFF0, s22;
	s23 =	spop (v2sf)  }
0x26: {  	(v2sf) =	vpush v0, $0xA;
	s21 =	simm.s32 $0x600;
	s29 =	sand.u32 $0x1FFFFFF0, s23;
	s31 =	spop (v2sf)  }
0x27: {  	(v2sf) =	vpush v0, $0xB;
	[tilespmem:s19], [sflag:$0x1] =	stream.linear.gather [hbm4b:s1+s2], $0x80, $0x200038;
	[tilespmem:$0x10200] =	vst v63  }
0x28: {  	s28 =	sadd.s32 s3, s4;
	s4 =	sadd.s32 s3, s29;
	s6 =	spop (v2sf)  }
0x29: {  	(v2sf) =	vpush v0, $0xC;
	[tilespmem:s24], [sflag:$0x1] =	stream.linear.gather [hbm4b:s28+s2], $0x80, $0x200038;
	[tilespmem:$0x10200] =	vst v63  }
0x2a: {  	s1 =	sand.u32 $0x1FFFFFF0, s31;
	s29 =	simm.s32 $0x700;
	s7 =	spop (v2sf)  }
0x2b: {  	[tilespmem:s30], [sflag:$0x1] =	stream.linear.gather [hbm4b:s4+s2], $0x80, $0x200038;
	[tilespmem:$0x10200] =	vst v63  }
0x2c: {  	s1 =	sadd.s32 s3, s1;
	s11 =	sand.u32 $0x1FFFFFF0, s7;
	s4 =	sand.u32 $0x1FFFFFF0, s6  }
0x2d: {  	(v2sf) =	vpush v0, $0xD;
	[tilespmem:s5], [sflag:$0x1] =	stream.linear.gather [hbm4b:s1+s2], $0x80, $0x200038;
	[tilespmem:$0x10200] =	vst v63  }
0x2e: {  	s24 =	simm.s32 $0x680;
	s6 =	simm.s32 $0x800;
	s10 =	sadd.s32 s3, s4  }
0x2f: {  	[tilespmem:s9], [sflag:$0x1] =	stream.linear.gather [hbm4b:s10+s2], $0x80, $0x200038;
	[tilespmem:$0x10200] =	vst v63  }
0x30: {  	s4 =	sadd.s32 s3, s11;
	s9 =	simm.s32 $0x880;
	s14 =	spop (v2sf)  }
0x31: {  	(v2sf) =	vpush v0, $0xE;
	[tilespmem:s13], [sflag:$0x1] =	stream.linear.gather [hbm4b:s4+s2], $0x80, $0x200038;
	[tilespmem:$0x10200] =	vst v63  }
0x32: {  	s13 =	simm.s32 $0x900;
	s1 =	sand.u32 $0x1FFFFFF0, s14;
	s18 =	spop (v2sf)  }
0x33: {  	(v2sf) =	vpush v0, $0xF;
	v0 =	vshll.u32 v1, $0x4;
	s1 =	sadd.s32 s3, s1;
	s4 =	sand.u32 $0x1FFFFFF0, s18;
	s19 =	spop (v2sf)  }
0x34: {  	(v2sf) =	vpush v0, $0x0;
	[tilespmem:s17], [sflag:$0x1] =	stream.linear.gather [hbm4b:s1+s2], $0x80, $0x200038;
	[tilespmem:$0x10200] =	vst v63  }
0x35: {  	s18 =	simm.s32 $0x980;
	s22 =	sadd.s32 s3, s4;
	s28 =	spop (v2sf)  }
0x36: {  	s23 =	sand.u32 $0x1FFFFFF0, s19;
	(v2sf) =	vpush v0, $0x1;
	s1 =	sand.u32 $0x1FFFFFF0, s28;
	s30 =	spop (v2sf)  }
0x37: {  	[tilespmem:s21], [sflag:$0x1] =	stream.linear.gather [hbm4b:s22+s2], $0x80, $0x200038;
	[tilespmem:$0x10200] =	vst v63  }
0x38: {  	s4 =	sadd.s32 s3, s23;
	(v2sf) =	vpush v0, $0x2;
	s1 =	sadd.s32 s3, s1;
	s31 =	spop (v2sf)  }
0x39: {  	[tilespmem:s24], [sflag:$0x1] =	stream.linear.gather [hbm4b:s4+s2], $0x80, $0x200038;
	[tilespmem:$0x10200] =	vst v63  }
0x3a: {  	(v2sf) =	vpush v0, $0x3;
	s21 =	simm.s32 $0xA00;
	s5 =	sand.u32 $0x1FFFFFF0, s31;
	s4 =	sand.u32 $0x1FFFFFF0, s30  }
0x3b: {  	[tilespmem:s29], [sflag:$0x1] =	stream.linear.gather [hbm4b:s1+s2], $0x80, $0x200038;
	[tilespmem:$0x10200] =	vst v63  }
0x3c: {  	s7 =	spop (v2sf);
	(v2sf) =	vpush v0, $0x4;
	s4 =	sadd.s32 s3, s4;
	s1 =	simm.s32 $0x780  }
0x3d: {  	[tilespmem:s1], [sflag:$0x1] =	stream.linear.gather [hbm4b:s4+s2], $0x80, $0x200038;
	[tilespmem:$0x10200] =	vst v63  }
0x3e: {  	s24 =	simm.s32 $0xA80;
	s4 =	sadd.s32 s3, s5;
	s1 =	sand.u32 $0x1FFFFFF0, s7  }
0x3f: {  	[tilespmem:s6], [sflag:$0x1] =	stream.linear.gather [hbm4b:s4+s2], $0x80, $0x200038;
	[tilespmem:$0x10200] =	vst v63  }
0x40: {  	(v2sf) =	vpush v0, $0x5;
	s30 =	simm.s32 $0xB00;
	s1 =	sadd.s32 s3, s1;
	s10 =	spop (v2sf)  }
0x41: {  	[tilespmem:s9], [sflag:$0x1] =	stream.linear.gather [hbm4b:s1+s2], $0x80, $0x200038;
	[tilespmem:$0x10200] =	vst v63  }
0x42: {  	s5 =	simm.s32 $0xB80;
	(v2sf) =	vpush v0, $0x6;
	s4 =	sand.u32 $0x1FFFFFF0, s10;
	s11 =	spop (v2sf)  }
0x43: {  	s14 =	sadd.s32 s3, s4;
	s17 =	sand.u32 $0x1FFFFFF0, s11;
	s19 =	spop (v2sf)  }
0x44: {  	[tilespmem:s13], [sflag:$0x1] =	stream.linear.gather [hbm4b:s14+s2], $0x80, $0x200038;
	[tilespmem:$0x10200] =	vst v63  }
0x45: {  	(v2sf) =	vpush v0, $0x7;
	s4 =	sadd.s32 s3, s17;
	s1 =	sand.u32 $0x1FFFFFF0, s19;
	s22 =	spop (v2sf)  }
0x46: {  	(v2sf) =	vpush v0, $0x8;
	[tilespmem:s18], [sflag:$0x1] =	stream.linear.gather [hbm4b:s4+s2], $0x80, $0x200038;
	[tilespmem:$0x10200] =	vst v63  }
0x47: {  	s1 =	sadd.s32 s3, s1;
	s23 =	spop (v2sf);
	s4 =	sand.u32 $0x1FFFFFF0, s22  }
0x48: {  	(v2sf) =	vpush v0, $0x9;
	[tilespmem:s21], [sflag:$0x1] =	stream.linear.gather [hbm4b:s1+s2], $0x80, $0x200038;
	[tilespmem:$0x10200] =	vst v63  }
0x49: {  	s29 =	sand.u32 $0x1FFFFFF0, s23;
	s31 =	spop (v2sf);
	s28 =	sadd.s32 s3, s4  }
0x4a: {  	(v2sf) =	vpush v0, $0xA;
	[tilespmem:s24], [sflag:$0x1] =	stream.linear.gather [hbm4b:s28+s2], $0x80, $0x200038;
	[tilespmem:$0x10200] =	vst v63  }
0x4b: {  	s4 =	sadd.s32 s3, s29;
	s6 =	spop (v2sf);
	s1 =	sand.u32 $0x1FFFFFF0, s31  }
0x4c: {  	(v2sf) =	vpush v0, $0xD;
	[tilespmem:s30], [sflag:$0x1] =	stream.linear.gather [hbm4b:s4+s2], $0x80, $0x200038;
	[tilespmem:$0x10200] =	vst v63  }
0x4d: {  	s9 =	simm.s32 $0xC00;
	s1 =	sadd.s32 s3, s1;
	s4 =	sand.u32 $0x1FFFFFF0, s6  }
0x4e: {  	(v2sf) =	vpush v0, $0xB;
	[tilespmem:s5], [sflag:$0x1] =	stream.linear.gather [hbm4b:s1+s2], $0x80, $0x200038;
	[tilespmem:$0x10200] =	vst v63  }
0x4f: {  	s13 =	simm.s32 $0xD00;
	s7 =	spop (v2sf);
	s10 =	sadd.s32 s3, s4  }
0x50: {  	(v2sf) =	vpush v0, $0xC;
	[tilespmem:s9], [sflag:$0x1] =	stream.linear.gather [hbm4b:s10+s2], $0x80, $0x200038;
	[tilespmem:$0x10200] =	vst v63  }
0x51: {  	s17 =	simm.s32 $0xD80;
	s11 =	sand.u32 $0x1FFFFFF0, s7;
	s14 =	spop (v2sf)  }
0x52: {  	s29 =	simm.s32 $0xE80;
	s4 =	sadd.s32 s3, s11;
	s1 =	sand.u32 $0x1FFFFFF0, s14  }
0x53: {  	[tilespmem:s16], [sflag:$0x1] =	stream.linear.gather [hbm4b:s4+s2], $0x80, $0x200038;
	[tilespmem:$0x10200] =	vst v63  }
0x54: {  	s30 =	simm.s32 $0xF00;
	s18 =	spop (v2sf);
	s1 =	sadd.s32 s3, s1  }
0x55: {  	s16 =	simm.s32 $0x8000;
	s5 =	sand.u32 $0x1FFFFFF0, s18;
	s6 =	spop (v2sf)  }
0x56: {  	[tilespmem:s13], [sflag:$0x1] =	stream.linear.gather [hbm4b:s1+s2], $0x80, $0x200038;
	[tilespmem:$0x10200] =	vst v63  }
0x57: {  	s19 =	sadd.s32 s3, s5;
	s21 =	sand.u32 $0x1FFFFFF0, s6;
	s22 =	spop (v2sf)  }
0x58: {  	[tilespmem:s17], [sflag:$0x1] =	stream.linear.gather [hbm4b:s19+s2], $0x80, $0x200038;
	[tilespmem:$0x10200] =	vst v63  }
0x59: {  	s23 =	sadd.s32 s3, s21;
	s24 =	sand.u32 $0x1FFFFFF0, s22;
	s28 =	spop (v2sf)  }
0x5a: {  	[tilespmem:s15], [sflag:$0x1] =	stream.linear.gather [hbm4b:s23+s2], $0x80, $0x200038;
	[tilespmem:$0x10200] =	vst v63  }
0x5b: {  	s1 =	sadd.s32 s3, s24;
	s4 =	sand.u32 $0x1FFFFFF0, s28;
	s0 =	spop (v2sf)  }
0x5c: {  	[tilespmem:s29], [sflag:$0x1] =	stream.linear.gather [hbm4b:s1+s2], $0x80, $0x200038;
	[tilespmem:$0x10200] =	vst v63  }
0x5d: {  	(v2sf) =	vpush v0, $0xE;
	s4 =	sadd.s32 s3, s4;
	s31 =	spop (v2sf);
	s15 =	simm.s32 $0x30  }
0x5e: {  	[tilespmem:s30], [sflag:$0x1] =	stream.linear.gather [hbm4b:s4+s2], $0x80, $0x200038;
	[tilespmem:$0x10200] =	vst v63  }
0x5f: {  	(v2sf) =	vpush v0, $0xF;
	s23 =	simm.s32 $0xF80;
	v0 =	vld [tilespmem:s15+$0xFFFFFFF0];
	s1 =	spop (v2sf);
	s4 =	sand.u32 $0x1FFFFFF0, s31  }
.LBB2_2:
0x60: {  	_ =	sdelay $0x5  }
0x61: {  	s4 =	sadd.s32 s3, s4;
	s1 =	sand.u32 $0x1FFFFFF0, s1  }
0x62: {  	[tilespmem:s23], [sflag:$0x1] =	stream.linear.gather [hbm4b:s4+s2], $0x80, $0x200038;
	[tilespmem:$0x10200] =	vst v63  }
0x63: {  	s0 =	sand.u32 $0x1FFFFFF0, s0;
	s1 =	sadd.s32 s3, s1  }
0x64: {  	[tilespmem:s20], [sflag:$0x1] =	stream.linear.gather [hbm4b:s1+s2], $0x80, $0x200038;
	[tilespmem:$0x10200] =	vst v63  }
0x65: {  	p0 =	sne.s32 s16, $0x3C000;
	s5 =	smov.u32 s15;
	s0 =	sadd.s32 s3, s0  }
0x66: {  	[tilespmem:s25], [sflag:$0x1] =	stream.linear.gather [hbm4b:s0+s2], $0x80, $0x200038;
	[tilespmem:$0x10200] =	vst v63  }
0x67: {  	s6 =	smov.u32 s26;
	s26 =	smov.u32 s16;
	s28 =	spop (v2sf)  }
0x68: {  	s31 =	sadd.s32 $0x1100, s12;
	s15 =	sadd.s32 $0x20, s15;
	v0 =	vshll.u32 v0, $0x4;
	s29 =	sand.u32 $0x1FFFFFF0, s28  }
0x69: {  	s16 =	sadd.s32 $0x4000, s16;
	(v2sf) =	vpush v0, $0x0;
	s30 =	spop (v2sf);
	s1 =	sadd.s32 s3, s29  }
0x6a: {  	(v2sf) =	vpush v0, $0x1;
	[tilespmem:s31], [sflag:$0x1] =	stream.linear.gather [hbm4b:s1+s2], $0x80, $0x200038;
	[tilespmem:$0x10200] =	vst v63  }
0x6b: {  	(v2sf) =	vpush v0, $0x2;
	s4 =	sand.u32 $0x1FFFFFF0, s30;
	s1 =	sadd.s32 $0x1180, s12;
	s12 =	sshra.s32 s6, $0x2  }
0x6c: {  	s7 =	sadd.s32 s3, s4;
	s20 =	sadd.s32 $0x1000, s12;
	s9 =	sadd.s32 $0xE00, s12  }
0x6d: {  	(v2sf) =	vpush v0, $0x3;
	[tilespmem:s1], [sflag:$0x1] =	stream.linear.gather [hbm4b:s7+s2], $0x80, $0x200038;
	[tilespmem:$0x10200] =	vst v63  }
0x6e: {  	s25 =	sadd.s32 $0x1080, s12;
	s10 =	sadd.s32 $0xE80, s12;
	[dreg:$0x4] =	wrdreg s9  }
0x6f: {  	(v2sf) =	vpush v0, $0x4;
	s11 =	sadd.s32 $0xC80, s12;
	s13 =	sadd.s32 $0xD00, s12;
	[dreg:$0x3] =	wrdreg s10  }
0x70: {  	s14 =	sadd.s32 $0xD80, s12;
	s17 =	sadd.s32 $0xB00, s12;
	[dreg:$0x7] =	wrdreg s11  }
0x71: {  	s18 =	sadd.s32 $0xB80, s12;
	s19 =	sadd.s32 $0xC00, s12;
	[dreg:$0x6] =	wrdreg s13;
	(v2sf) =	vpush v0, $0x5  }
0x72: {  	s29 =	sadd.s32 $0x980, s12;
	s28 =	sadd.s32 $0xA00, s12;
	[dreg:$0x5] =	wrdreg s14  }
0x73: {  	s21 =	sadd.s32 $0xA80, s12;
	s24 =	sadd.s32 $0x800, s12;
	[dreg:$0xa] =	wrdreg s17;
	(v2sf) =	vpush v0, $0x6  }
0x74: {  	s31 =	sadd.s32 $0x880, s12;
	s30 =	sadd.s32 $0x900, s12;
	[dreg:$0x9] =	wrdreg s18  }
0x75: {  	s4 =	sadd.s32 $0x680, s12;
	s6 =	sadd.s32 $0x600, s12;
	[dreg:$0x8] =	wrdreg s19;
	(v2sf) =	vpush v0, $0x7  }
0x76: {  	[dreg:$0xb] =	wrdreg s21;
	s10 =	sadd.s32 $0x500, s12;
	s7 =	sadd.s32 $0x580, s12  }
0x77: {  	s11 =	sadd.s32 $0x380, s12;
	s13 =	sadd.s32 $0x400, s12;
	s18 =	sadd.s32 $0x480, s12;
	(v2sf) =	vpush v0, $0x8  }
0x78: {  	s19 =	sadd.s32 $0x280, s12;
	s14 =	sadd.s32 $0x300, s12;
	s22 =	spop (v2sf)  }
0x79: {  	s17 =	sadd.s32 $0x200, s12;
	s0 =	sand.u32 $0x1FFFFFF0, s22;
	s21 =	spop (v2sf);
	(v2sf) =	vpush v0, $0x9  }
0x7a: {  	s0 =	sadd.s32 s3, s0;
	s21 =	sand.u32 $0x1FFFFFF0, s21;
	s22 =	spop (v2sf)  }
0x7b: {  	v1 =	vld [tilespmem:s5+$0x0];
	(v2sf) =	vpush v0, $0xA;
	[tilespmem:s17], [sflag:$0x1] =	stream.linear.gather [hbm4b:s0+s2], $0x80, $0x200038  }
0x7c: {  	s17 =	sadd.s32 s3, s21;
	s21 =	sand.u32 $0x1FFFFFF0, s22;
	s22 =	spop (v2sf)  }
0x7d: {  	(v2sf) =	vpush v0, $0xB;
	[tilespmem:s19], [sflag:$0x1] =	stream.linear.gather [hbm4b:s17+s2], $0x80, $0x200038;
	[tilespmem:$0x10200] =	vst v63  }
0x7e: {  	s19 =	sadd.s32 s3, s21;
	s21 =	sand.u32 $0x1FFFFFF0, s22;
	s22 =	spop (v2sf)  }
0x7f: {  	(v2sf) =	vpush v0, $0xC;
	[tilespmem:s14], [sflag:$0x1] =	stream.linear.gather [hbm4b:s19+s2], $0x80, $0x200038;
	[tilespmem:$0x10200] =	vst v63  }
0x80: {  	s5 =	sadd.s32 s3, s21;
	s17 =	spop (v2sf);
	s14 =	sand.u32 $0x1FFFFFF0, s22  }
0x81: {  	(v2sf) =	vpush v0, $0xD;
	[tilespmem:s11], [sflag:$0x1] =	stream.linear.gather [hbm4b:s5+s2], $0x80, $0x200038;
	[tilespmem:$0x10200] =	vst v63  }
0x82: {  	s21 =	sand.u32 $0x1FFFFFF0, s17;
	s22 =	spop (v2sf);
	s19 =	sadd.s32 s3, s14  }
0x83: {  	[tilespmem:s13], [sflag:$0x1] =	stream.linear.gather [hbm4b:s19+s2], $0x80, $0x200038;
	[tilespmem:$0x10200] =	vst v63  }
0x84: {  	(v2sf) =	vpush v0, $0xE;
	s5 =	sadd.s32 s3, s21;
	s11 =	sand.u32 $0x1FFFFFF0, s22;
	s13 =	spop (v2sf)  }
0x85: {  	[tilespmem:s18], [sflag:$0x1] =	stream.linear.gather [hbm4b:s5+s2], $0x80, $0x200038;
	[tilespmem:$0x10200] =	vst v63  }
0x86: {  	s14 =	sadd.s32 s3, s11;
	(v2sf) =	vpush v0, $0xF;
	s17 =	sand.u32 $0x1FFFFFF0, s13;
	s18 =	spop (v2sf)  }
0x87: {  	v0 =	vshll.u32 v1, $0x4;
	[tilespmem:s10], [sflag:$0x1] =	stream.linear.gather [hbm4b:s14+s2], $0x80, $0x200038;
	[tilespmem:$0x10200] =	vst v63  }
0x88: {  	(v2sf) =	vpush v0, $0x0;
	s19 =	sadd.s32 s3, s17;
	s21 =	sand.u32 $0x1FFFFFF0, s18;
	s22 =	spop (v2sf)  }
0x89: {  	[tilespmem:s7], [sflag:$0x1] =	stream.linear.gather [hbm4b:s19+s2], $0x80, $0x200038;
	[tilespmem:$0x10200] =	vst v63  }
0x8a: {  	(v2sf) =	vpush v0, $0x1;
	s7 =	sadd.s32 s3, s21;
	s11 =	sand.u32 $0x1FFFFFF0, s22;
	s13 =	spop (v2sf)  }
0x8b: {  	[tilespmem:s6], [sflag:$0x1] =	stream.linear.gather [hbm4b:s7+s2], $0x80, $0x200038;
	[tilespmem:$0x10200] =	vst v63  }
0x8c: {  	s14 =	sadd.s32 s3, s11;
	s17 =	sand.u32 $0x1FFFFFF0, s13;
	s18 =	spop (v2sf)  }
0x8d: {  	(v2sf) =	vpush v0, $0x2;
	[tilespmem:s4], [sflag:$0x1] =	stream.linear.gather [hbm4b:s14+s2], $0x80, $0x200038;
	[tilespmem:$0x10200] =	vst v63  }
0x8e: {  	s9 =	sadd.s32 $0x700, s12;
	(v2sf) =	vpush v0, $0x3;
	s19 =	sadd.s32 s3, s17;
	s22 =	spop (v2sf)  }
0x8f: {  	[tilespmem:s9], [sflag:$0x1] =	stream.linear.gather [hbm4b:s19+s2], $0x80, $0x200038;
	[tilespmem:$0x10200] =	vst v63  }
0x90: {  	s1 =	sadd.s32 $0x780, s12;
	s21 =	sand.u32 $0x1FFFFFF0, s18;
	(v2sf) =	vpush v0, $0x4;
	s9 =	spop (v2sf)  }
0x91: {  	s6 =	sadd.s32 s3, s21;
	s7 =	sand.u32 $0x1FFFFFF0, s22;
	s11 =	sand.u32 $0x1FFFFFF0, s9  }
0x92: {  	(v2sf) =	vpush v0, $0x5;
	[tilespmem:s1], [sflag:$0x1] =	stream.linear.gather [hbm4b:s6+s2], $0x80, $0x200038;
	[tilespmem:$0x10200] =	vst v63  }
0x93: {  	s10 =	sadd.s32 s3, s7;
	s13 =	spop (v2sf);
	s14 =	sadd.s32 s3, s11  }
0x94: {  	[tilespmem:s24], [sflag:$0x1] =	stream.linear.gather [hbm4b:s10+s2], $0x80, $0x200038;
	[tilespmem:$0x10200] =	vst v63  }
0x95: {  	(v2sf) =	vpush v0, $0x6;
	s17 =	sand.u32 $0x1FFFFFF0, s13;
	s11 =	rddreg [dreg:$0xb];
	s18 =	spop (v2sf)  }
0x96: {  	[tilespmem:s31], [sflag:$0x1] =	stream.linear.gather [hbm4b:s14+s2], $0x80, $0x200038;
	[tilespmem:$0x10200] =	vst v63  }
0x97: {  	(v2sf) =	vpush v0, $0x7;
	s19 =	sadd.s32 s3, s17;
	s21 =	sand.u32 $0x1FFFFFF0, s18;
	s22 =	spop (v2sf)  }
0x98: {  	[tilespmem:s30], [sflag:$0x1] =	stream.linear.gather [hbm4b:s19+s2], $0x80, $0x200038;
	[tilespmem:$0x10200] =	vst v63  }
0x99: {  	s18 =	rddreg [dreg:$0xa];
	(v2sf) =	vpush v0, $0x8;
	s30 =	sand.u32 $0x1FFFFFF0, s22;
	s31 =	spop (v2sf)  }
0x9a: {  	s24 =	sadd.s32 s3, s21;
	s1 =	sadd.s32 s3, s30;
	s5 =	sand.u32 $0x1FFFFFF0, s31  }
0x9b: {  	(v2sf) =	vpush v0, $0x9;
	[tilespmem:s29], [sflag:$0x1] =	stream.linear.gather [hbm4b:s24+s2], $0x80, $0x200038;
	[tilespmem:$0x10200] =	vst v63  }
0x9c: {  	s6 =	spop (v2sf);
	s31 =	rddreg [dreg:$0x8];
	s7 =	sadd.s32 s3, s5  }
0x9d: {  	s9 =	sand.u32 $0x1FFFFFF0, s6;
	s10 =	spop (v2sf);
	s24 =	rddreg [dreg:$0x9]  }
0x9e: {  	[tilespmem:s28], [sflag:$0x1] =	stream.linear.gather [hbm4b:s1+s2], $0x80, $0x200038;
	[tilespmem:$0x10200] =	vst v63  }
0x9f: {  	(v2sf) =	vpush v0, $0xA;
	s13 =	sadd.s32 s3, s9;
	s14 =	sand.u32 $0x1FFFFFF0, s10;
	s17 =	spop (v2sf)  }
0xa0: {  	[tilespmem:s11], [sflag:$0x1] =	stream.linear.gather [hbm4b:s7+s2], $0x80, $0x200038;
	[tilespmem:$0x10200] =	vst v63  }
0xa1: {  	(v2sf) =	vpush v0, $0xD;
	s19 =	sadd.s32 s3, s14;
	s21 =	sand.u32 $0x1FFFFFF0, s17;
	s22 =	spop (v2sf)  }
0xa2: {  	[tilespmem:s18], [sflag:$0x1] =	stream.linear.gather [hbm4b:s13+s2], $0x80, $0x200038;
	[tilespmem:$0x10200] =	vst v63  }
0xa3: {  	(v2sf) =	vpush v0, $0xB;
	s28 =	sadd.s32 s3, s21;
	s7 =	rddreg [dreg:$0x7];
	s29 =	sand.u32 $0x1FFFFFF0, s22  }
0xa4: {  	s30 =	spop (v2sf);
	s13 =	rddreg [dreg:$0x6];
	s1 =	sadd.s32 s3, s29  }
0xa5: {  	(v2sf) =	vpush v0, $0xC;
	[tilespmem:s24], [sflag:$0x1] =	stream.linear.gather [hbm4b:s19+s2], $0x80, $0x200038;
	[tilespmem:$0x10200] =	vst v63  }
0xa6: {  	s4 =	sand.u32 $0x1FFFFFF0, s30;
	s29 =	rddreg [dreg:$0x3];
	s6 =	spop (v2sf)  }
0xa7: {  	[tilespmem:s31], [sflag:$0x1] =	stream.linear.gather [hbm4b:s28+s2], $0x80, $0x200038;
	[tilespmem:$0x10200] =	vst v63  }
0xa8: {  	s9 =	sadd.s32 s3, s4;
	s10 =	sand.u32 $0x1FFFFFF0, s6;
	s11 =	spop (v2sf)  }
0xa9: {  	[tilespmem:s7], [sflag:$0x1] =	stream.linear.gather [hbm4b:s1+s2], $0x80, $0x200038;
	[tilespmem:$0x10200] =	vst v63  }
0xaa: {  	s19 =	rddreg [dreg:$0x5];
	s14 =	sadd.s32 s3, s10;
	s18 =	spop (v2sf)  }
0xab: {  	[tilespmem:s13], [sflag:$0x1] =	stream.linear.gather [hbm4b:s9+s2], $0x80, $0x200038;
	[tilespmem:$0x10200] =	vst v63  }
0xac: {  	s28 =	rddreg [dreg:$0x4];
	s17 =	sand.u32 $0x1FFFFFF0, s11;
	s22 =	sand.u32 $0x1FFFFFF0, s18  }
0xad: {  	[tilespmem:s19], [sflag:$0x1] =	stream.linear.gather [hbm4b:s14+s2], $0x80, $0x200038;
	[tilespmem:$0x10200] =	vst v63  }
0xae: {  	s21 =	sadd.s32 s3, s17;
	s24 =	spop (v2sf);
	s1 =	sadd.s32 s3, s22  }
0xaf: {  	[tilespmem:s28], [sflag:$0x1] =	stream.linear.gather [hbm4b:s21+s2], $0x80, $0x200038;
	[tilespmem:$0x10200] =	vst v63  }
.Ltmp0:
0xb0: {  	s4 =	sand.u32 $0x1FFFFFF0, s24;
	s0 =	spop (v2sf);
	(pc) =	sbr.rel @p0 .LBB2_2-.Ltmp0, $4  }
0xb1: {  	[tilespmem:s29], [sflag:$0x1] =	stream.linear.gather [hbm4b:s1+s2], $0x80, $0x200038;
	[tilespmem:$0x10200] =	vst v63  }
0xb2: {  	s30 =	sadd.s32 $0xF00, s12;
	(v2sf) =	vpush v0, $0xE;
	s4 =	sadd.s32 s3, s4;
	s31 =	spop (v2sf)  }
0xb3: {  	(v2sf) =	vpush v0, $0xF;
	v0 =	vld [tilespmem:s15+$0xFFFFFFF0];
	[tilespmem:s30], [sflag:$0x1] =	stream.linear.gather [hbm4b:s4+s2], $0x80, $0x200038  }
0xb4: {  	s23 =	sadd.s32 $0xF80, s12;
	s1 =	spop (v2sf);
	s4 =	sand.u32 $0x1FFFFFF0, s31  }
0xb5: {  	_ =	sdelay $0x2  }
0xb6: {  	v0 =	vshll.u32 v0, $0x4  }
0xb7: {  	(v2sf) =	vpush v0, $0x0  }
0xb8: {  	(v2sf) =	vpush v0, $0x1  }
0xb9: {  	s4 =	sadd.s32 s3, s4;
	s1 =	sand.u32 $0x1FFFFFF0, s1;
	(v2sf) =	vpush v0, $0x2  }
0xba: {  	[tilespmem:s23], [sflag:$0x1] =	stream.linear.gather [hbm4b:s4+s2], $0x80, $0x200038;
	[tilespmem:$0x10200] =	vst v63  }
0xbb: {  	s0 =	sand.u32 $0x1FFFFFF0, s0;
	s1 =	sadd.s32 s3, s1  }
0xbc: {  	[tilespmem:s20], [sflag:$0x1] =	stream.linear.gather [hbm4b:s1+s2], $0x80, $0x200038;
	[tilespmem:$0x10200] =	vst v63  }
0xbd: {  	s0 =	sadd.s32 s3, s0  }
0xbe: {  	[tilespmem:s25], [sflag:$0x1] =	stream.linear.gather [hbm4b:s0+s2], $0x80, $0x200038;
	[tilespmem:$0x10200] =	vst v63  }
0xbf: {  	s23 =	spop (v2sf);
	(v2sf) =	vpush v0, $0x3  }
0xc0: {  	s0 =	sand.u32 $0x1FFFFFF0, s23;
	(v2sf) =	vpush v0, $0x4  }
0xc1: {  	s24 =	sadd.s32 $0x1100, s12;
	s25 =	spop (v2sf);
	s0 =	sadd.s32 s3, s0;
	(v2sf) =	vpush v0, $0x5  }
0xc2: {  	[tilespmem:s24], [sflag:$0x1] =	stream.linear.gather [hbm4b:s0+s2], $0x80, $0x200038;
	[tilespmem:$0x10200] =	vst v63  }
0xc3: {  	s0 =	sand.u32 $0x1FFFFFF0, s25  }
0xc4: {  	s28 =	sadd.s32 $0x1180, s12;
	s0 =	sadd.s32 s3, s0  }
0xc5: {  	(v2sf) =	vpush v0, $0x6;
	[tilespmem:s28], [sflag:$0x1] =	stream.linear.gather [hbm4b:s0+s2], $0x80, $0x200038;
	[tilespmem:$0x10200] =	vst v63  }
0xc6: {  	s11 =	sshra.s32 s26, $0x2;
	s29 =	spop (v2sf)  }
0xc7: {  	s30 =	sadd.s32 $0x200, s11;
	(v2sf) =	vpush v0, $0x7;
	s0 =	sand.u32 $0x1FFFFFF0, s29;
	s31 =	spop (v2sf)  }
0xc8: {  	(v2sf) =	vpush v0, $0x8;
	s0 =	sadd.s32 s3, s0;
	s4 =	sand.u32 $0x1FFFFFF0, s31;
	s5 =	spop (v2sf)  }
0xc9: {  	v1 =	vld [tilespmem:s15+$0x0];
	[tilespmem:s30], [sflag:$0x1] =	stream.linear.gather [hbm4b:s0+s2], $0x80, $0x200038  }
0xca: {  	s6 =	sadd.s32 $0x280, s11;
	(v2sf) =	vpush v0, $0x9;
	s0 =	sadd.s32 s3, s4;
	s1 =	sand.u32 $0x1FFFFFF0, s5  }
0xcb: {  	[tilespmem:s6], [sflag:$0x1] =	stream.linear.gather [hbm4b:s0+s2], $0x80, $0x200038;
	[tilespmem:$0x10200] =	vst v63  }
0xcc: {  	s7 =	sadd.s32 $0x300, s11;
	s13 =	sadd.s32 $0x380, s11;
	s1 =	sadd.s32 s3, s1  }
0xcd: {  	[tilespmem:s7], [sflag:$0x1] =	stream.linear.gather [hbm4b:s1+s2], $0x80, $0x200038;
	[tilespmem:$0x10200] =	vst v63  }
0xce: {  	s14 =	sadd.s32 $0x400, s11;
	s18 =	sadd.s32 $0x480, s11;
	s9 =	spop (v2sf);
	(v2sf) =	vpush v0, $0xA  }
0xcf: {  	s19 =	sadd.s32 $0x500, s11;
	s10 =	sand.u32 $0x1FFFFFF0, s9;
	s12 =	spop (v2sf)  }
0xd0: {  	(v2sf) =	vpush v0, $0xB;
	s0 =	sadd.s32 s3, s10;
	s1 =	sand.u32 $0x1FFFFFF0, s12;
	s15 =	spop (v2sf)  }
0xd1: {  	(v2sf) =	vpush v0, $0xC;
	[tilespmem:s13], [sflag:$0x1] =	stream.linear.gather [hbm4b:s0+s2], $0x80, $0x200038;
	[tilespmem:$0x10200] =	vst v63  }
0xd2: {  	s23 =	sadd.s32 $0x580, s11;
	s1 =	sadd.s32 s3, s1;
	s16 =	sand.u32 $0x1FFFFFF0, s15  }
0xd3: {  	[tilespmem:s14], [sflag:$0x1] =	stream.linear.gather [hbm4b:s1+s2], $0x80, $0x200038;
	[tilespmem:$0x10200] =	vst v63  }
0xd4: {  	s24 =	sadd.s32 $0x600, s11;
	s17 =	spop (v2sf);
	s0 =	sadd.s32 s3, s16  }
0xd5: {  	(v2sf) =	vpush v0, $0xD;
	[tilespmem:s18], [sflag:$0x1] =	stream.linear.gather [hbm4b:s0+s2], $0x80, $0x200038;
	[tilespmem:$0x10200] =	vst v63  }
0xd6: {  	s29 =	sadd.s32 $0x680, s11;
	s1 =	sand.u32 $0x1FFFFFF0, s17;
	s20 =	spop (v2sf)  }
0xd7: {  	s1 =	sadd.s32 s3, s1;
	(v2sf) =	vpush v0, $0xE;
	s21 =	sand.u32 $0x1FFFFFF0, s20;
	s22 =	spop (v2sf)  }
0xd8: {  	(v2sf) =	vpush v0, $0xF;
	[tilespmem:s19], [sflag:$0x1] =	stream.linear.gather [hbm4b:s1+s2], $0x80, $0x200038;
	[tilespmem:$0x10200] =	vst v63  }
0xd9: {  	v63 =	vshll.u32 v1, $0x4;
	s0 =	sadd.s32 s3, s21;
	s1 =	sand.u32 $0x1FFFFFF0, s22;
	s25 =	spop (v2sf)  }
0xda: {  	(v2sf) =	vpush v63, $0x0;
	[tilespmem:s23], [sflag:$0x1] =	stream.linear.gather [hbm4b:s0+s2], $0x80, $0x200038;
	[tilespmem:$0x10200] =	vst v63  }
0xdb: {  	s30 =	sadd.s32 $0x700, s11;
	s1 =	sadd.s32 s3, s1;
	s26 =	sand.u32 $0x1FFFFFF0, s25  }
0xdc: {  	[tilespmem:s24], [sflag:$0x1] =	stream.linear.gather [hbm4b:s1+s2], $0x80, $0x200038;
	[tilespmem:$0x10200] =	vst v63  }
0xdd: {  	s6 =	sadd.s32 $0x780, s11;
	s0 =	sadd.s32 s3, s26;
	s28 =	spop (v2sf)  }
0xde: {  	[tilespmem:s29], [sflag:$0x1] =	stream.linear.gather [hbm4b:s0+s2], $0x80, $0x200038;
	(v2sf) =	vpush v63, $0x1;
	[tilespmem:$0x10200] =	vst v63  }
0xdf: {  	s7 =	sadd.s32 $0x800, s11;
	s1 =	sand.u32 $0x1FFFFFF0, s28;
	s31 =	spop (v2sf)  }
0xe0: {  	(v2sf) =	vpush v63, $0x2;
	s1 =	sadd.s32 s3, s1;
	s4 =	sand.u32 $0x1FFFFFF0, s31;
	s5 =	spop (v2sf)  }
0xe1: {  	(v2sf) =	vpush v63, $0x3;
	[tilespmem:s30], [sflag:$0x1] =	stream.linear.gather [hbm4b:s1+s2], $0x80, $0x200038;
	[tilespmem:$0x10200] =	vst v63  }
0xe2: {  	s13 =	sadd.s32 $0x880, s11;
	s0 =	sadd.s32 s3, s4;
	s1 =	sand.u32 $0x1FFFFFF0, s5  }
0xe3: {  	[tilespmem:s6], [sflag:$0x1] =	stream.linear.gather [hbm4b:s0+s2], $0x80, $0x200038;
	[tilespmem:$0x10200] =	vst v63  }
0xe4: {  	s14 =	sadd.s32 $0x900, s11;
	s9 =	spop (v2sf);
	s1 =	sadd.s32 s3, s1  }
0xe5: {  	(v2sf) =	vpush v63, $0x4;
	[tilespmem:s7], [sflag:$0x1] =	stream.linear.gather [hbm4b:s1+s2], $0x80, $0x200038;
	[tilespmem:$0x10200] =	vst v63  }
0xe6: {  	s18 =	sadd.s32 $0x980, s11;
	s10 =	sand.u32 $0x1FFFFFF0, s9;
	s12 =	spop (v2sf)  }
0xe7: {  	s0 =	sadd.s32 s3, s10;
	(v2sf) =	vpush v63, $0x5;
	s1 =	sand.u32 $0x1FFFFFF0, s12;
	s15 =	spop (v2sf)  }
0xe8: {  	(v2sf) =	vpush v63, $0x6;
	[tilespmem:s13], [sflag:$0x1] =	stream.linear.gather [hbm4b:s0+s2], $0x80, $0x200038;
	[tilespmem:$0x10200] =	vst v63  }
0xe9: {  	s1 =	sadd.s32 s3, s1;
	s16 =	sand.u32 $0x1FFFFFF0, s15;
	s17 =	spop (v2sf)  }
0xea: {  	(v2sf) =	vpush v63, $0x7;
	[tilespmem:s14], [sflag:$0x1] =	stream.linear.gather [hbm4b:s1+s2], $0x80, $0x200038;
	[tilespmem:$0x10200] =	vst v63  }
0xeb: {  	s19 =	sadd.s32 $0xA00, s11;
	s0 =	sadd.s32 s3, s16;
	s1 =	sand.u32 $0x1FFFFFF0, s17  }
0xec: {  	[tilespmem:s18], [sflag:$0x1] =	stream.linear.gather [hbm4b:s0+s2], $0x80, $0x200038;
	[tilespmem:$0x10200] =	vst v63  }
0xed: {  	s23 =	sadd.s32 $0xA80, s11;
	s1 =	sadd.s32 s3, s1;
	s20 =	spop (v2sf)  }
0xee: {  	[tilespmem:s19], [sflag:$0x1] =	stream.linear.gather [hbm4b:s1+s2], $0x80, $0x200038;
	(v2sf) =	vpush v63, $0x8;
	[tilespmem:$0x10200] =	vst v63  }
0xef: {  	s24 =	sadd.s32 $0xB00, s11;
	s21 =	sand.u32 $0x1FFFFFF0, s20;
	s22 =	spop (v2sf)  }
0xf0: {  	(v2sf) =	vpush v63, $0x9;
	s0 =	sadd.s32 s3, s21;
	s1 =	sand.u32 $0x1FFFFFF0, s22;
	s25 =	spop (v2sf)  }
0xf1: {  	(v2sf) =	vpush v63, $0xA;
	[tilespmem:s23], [sflag:$0x1] =	stream.linear.gather [hbm4b:s0+s2], $0x80, $0x200038;
	[tilespmem:$0x10200] =	vst v63  }
0xf2: {  	s29 =	sadd.s32 $0xB80, s11;
	s1 =	sadd.s32 s3, s1;
	s26 =	sand.u32 $0x1FFFFFF0, s25  }
0xf3: {  	[tilespmem:s24], [sflag:$0x1] =	stream.linear.gather [hbm4b:s1+s2], $0x80, $0x200038;
	[tilespmem:$0x10200] =	vst v63  }
0xf4: {  	s30 =	sadd.s32 $0xC00, s11;
	s28 =	spop (v2sf);
	s0 =	sadd.s32 s3, s26  }
0xf5: {  	(v2sf) =	vpush v63, $0xD;
	[tilespmem:s29], [sflag:$0x1] =	stream.linear.gather [hbm4b:s0+s2], $0x80, $0x200038;
	[tilespmem:$0x10200] =	vst v63  }
0xf6: {  	s7 =	sadd.s32 $0xC80, s11;
	s1 =	sand.u32 $0x1FFFFFF0, s28;
	s31 =	spop (v2sf)  }
0xf7: {  	s1 =	sadd.s32 s3, s1;
	(v2sf) =	vpush v63, $0xB;
	s5 =	sand.u32 $0x1FFFFFF0, s31;
	s6 =	spop (v2sf)  }
0xf8: {  	[tilespmem:s30], [sflag:$0x1] =	stream.linear.gather [hbm4b:s1+s2], $0x80, $0x200038;
	[tilespmem:$0x10200] =	vst v63  }
0xf9: {  	(v2sf) =	vpush v63, $0xC;
	s0 =	sadd.s32 s3, s5;
	s1 =	sand.u32 $0x1FFFFFF0, s6;
	s10 =	spop (v2sf)  }
0xfa: {  	[tilespmem:s7], [sflag:$0x1] =	stream.linear.gather [hbm4b:s0+s2], $0x80, $0x200038;
	[tilespmem:$0x10200] =	vst v63  }
0xfb: {  	s9 =	sadd.s32 $0xD00, s11;
	s1 =	sadd.s32 s3, s1;
	s12 =	sand.u32 $0x1FFFFFF0, s10  }
0xfc: {  	[tilespmem:s9], [sflag:$0x1] =	stream.linear.gather [hbm4b:s1+s2], $0x80, $0x200038;
	[tilespmem:$0x10200] =	vst v63  }
0xfd: {  	s14 =	sadd.s32 $0xD80, s11;
	s0 =	sadd.s32 s3, s12;
	s13 =	spop (v2sf)  }
0xfe: {  	[tilespmem:s14], [sflag:$0x1] =	stream.linear.gather [hbm4b:s0+s2], $0x80, $0x200038;
	[tilespmem:$0x10200] =	vst v63  }
0xff: {  	s15 =	sadd.s32 $0xE00, s11;
	s1 =	sand.u32 $0x1FFFFFF0, s13;
	s16 =	spop (v2sf)  }
0x100: {  	s1 =	sadd.s32 s3, s1;
	s17 =	sand.u32 $0x1FFFFFF0, s16;
	s18 =	spop (v2sf);
	(v2sf) =	vpush v63, $0xE  }
0x101: {  	[tilespmem:s15], [sflag:$0x1] =	stream.linear.gather [hbm4b:s1+s2], $0x80, $0x200038;
	[tilespmem:$0x10200] =	vst v63  }
0x102: {  	s19 =	sadd.s32 $0xE80, s11;
	s0 =	sadd.s32 s3, s17;
	s1 =	sand.u32 $0x1FFFFFF0, s18;
	(v2sf) =	vpush v63, $0xF  }
0x103: {  	[tilespmem:s19], [sflag:$0x1] =	stream.linear.gather [hbm4b:s0+s2], $0x80, $0x200038;
	[tilespmem:$0x10200] =	vst v63  }
0x104: {  	s21 =	sadd.s32 $0xF00, s11;
	s20 =	spop (v2sf);
	s1 =	sadd.s32 s3, s1  }
0x105: {  	[tilespmem:s21], [sflag:$0x1] =	stream.linear.gather [hbm4b:s1+s2], $0x80, $0x200038;
	[tilespmem:$0x10200] =	vst v63  }
0x106: {  	s22 =	spop (v2sf)  }
0x107: {  	s1 =	sand.u32 $0x1FFFFFF0, s22  }
0x108: {  	s23 =	sadd.s32 $0xF80, s11;
	s24 =	spop (v2sf);
	s1 =	sadd.s32 s3, s1  }
0x109: {  	[tilespmem:s23], [sflag:$0x1] =	stream.linear.gather [hbm4b:s1+s2], $0x80, $0x200038;
	[tilespmem:$0x10200] =	vst v63  }
0x10a: {  	s1 =	sand.u32 $0x1FFFFFF0, s24  }
0x10b: {  	s25 =	sadd.s32 $0x1000, s11;
	s0 =	sand.u32 $0x1FFFFFF0, s20;
	s1 =	sadd.s32 s3, s1  }
0x10c: {  	[tilespmem:s25], [sflag:$0x1] =	stream.linear.gather [hbm4b:s1+s2], $0x80, $0x200038;
	[tilespmem:$0x10200] =	vst v63  }
0x10d: {  	s26 =	sadd.s32 $0x1080, s11;
	s0 =	sadd.s32 s3, s0  }
0x10e: {  	[tilespmem:s26], [sflag:$0x1] =	stream.linear.gather [hbm4b:s0+s2], $0x80, $0x200038;
	[tilespmem:$0x10200] =	vst v63  }
0x10f: {  	s28 =	spop (v2sf)  }
0x110: {  	s0 =	sand.u32 $0x1FFFFFF0, s28  }
0x111: {  	s29 =	sadd.s32 $0x1100, s11;
	s30 =	spop (v2sf);
	s0 =	sadd.s32 s3, s0  }
0x112: {  	[tilespmem:s29], [sflag:$0x1] =	stream.linear.gather [hbm4b:s0+s2], $0x80, $0x200038;
	[tilespmem:$0x10200] =	vst v63  }
0x113: {  	s0 =	sand.u32 $0x1FFFFFF0, s30  }
0x114: {  	s31 =	sadd.s32 $0x1180, s11;
	s0 =	sadd.s32 s3, s0  }
0x115: {  	[tilespmem:s31], [sflag:$0x1] =	stream.linear.gather [hbm4b:s0+s2], $0x80, $0x200038;
	[tilespmem:$0x10200] =	vst v63  }
0x116: {  	_ =	strace $0x90000049  }
0x117: {  	_ =	strace $0x8000004A  }
0x118: {  	_ =	swait.ge [sflag:s8], $0x80  }
0x119: {  	[sflag:s8] =	ssyncset.done $0x0  }
0x11a: {  	[sflag:s8] =	ssyncadd.s32 $0xFFFFFF80  }
0x11b: {  	_ =	swait.ge [sflag:s8], $0x80  }
0x11c: {  	[sflag:s8] =	ssyncset.done $0x0  }
0x11d: {  	[sflag:s8] =	ssyncadd.s32 $0xFFFFFF80  }
0x11e: {  	_ =	swait.ge [sflag:s8], $0x80  }
0x11f: {  	[sflag:s8] =	ssyncset.done $0x0  }
0x120: {  	[sflag:s8] =	ssyncadd.s32 $0xFFFFFF80  }
0x121: {  	_ =	swait.ge [sflag:s8], $0x80  }
0x122: {  	[sflag:s8] =	ssyncset.done $0x0  }
0x123: {  	[sflag:s8] =	ssyncadd.s32 $0xFFFFFF80  }
0x124: {  	_ =	swait.ge [sflag:s8], $0x80  }
0x125: {  	[sflag:s8] =	ssyncset.done $0x0  }
0x126: {  	[sflag:s8] =	ssyncadd.s32 $0xFFFFFF80  }
0x127: {  	_ =	swait.ge [sflag:s8], $0x80  }
0x128: {  	[sflag:s8] =	ssyncset.done $0x0  }
0x129: {  	[sflag:s8] =	ssyncadd.s32 $0xFFFFFF80  }
0x12a: {  	_ =	swait.ge [sflag:s8], $0x80  }
0x12b: {  	[sflag:s8] =	ssyncset.done $0x0  }
0x12c: {  	[sflag:s8] =	ssyncadd.s32 $0xFFFFFF80  }
0x12d: {  	_ =	swait.ge [sflag:s8], $0x80  }
0x12e: {  	[sflag:s8] =	ssyncset.done $0x0  }
0x12f: {  	[sflag:s8] =	ssyncadd.s32 $0xFFFFFF80  }
0x130: {  	_ =	swait.ge [sflag:s8], $0x80  }
0x131: {  	[sflag:s8] =	ssyncset.done $0x0  }
0x132: {  	[sflag:s8] =	ssyncadd.s32 $0xFFFFFF80  }
0x133: {  	_ =	swait.ge [sflag:s8], $0x80  }
0x134: {  	[sflag:s8] =	ssyncset.done $0x0  }
0x135: {  	[sflag:s8] =	ssyncadd.s32 $0xFFFFFF80  }
0x136: {  	_ =	swait.ge [sflag:s8], $0x80  }
0x137: {  	[sflag:s8] =	ssyncset.done $0x0  }
0x138: {  	[sflag:s8] =	ssyncadd.s32 $0xFFFFFF80  }
0x139: {  	_ =	swait.ge [sflag:s8], $0x80  }
0x13a: {  	[sflag:s8] =	ssyncset.done $0x0  }
0x13b: {  	[sflag:s8] =	ssyncadd.s32 $0xFFFFFF80  }
0x13c: {  	_ =	swait.ge [sflag:s8], $0x80  }
0x13d: {  	[sflag:s8] =	ssyncset.done $0x0  }
0x13e: {  	[sflag:s8] =	ssyncadd.s32 $0xFFFFFF80  }
0x13f: {  	_ =	swait.ge [sflag:s8], $0x80  }
0x140: {  	[sflag:s8] =	ssyncset.done $0x0  }
0x141: {  	[sflag:s8] =	ssyncadd.s32 $0xFFFFFF80  }
0x142: {  	_ =	swait.ge [sflag:s8], $0x80  }
0x143: {  	[sflag:s8] =	ssyncset.done $0x0  }
0x144: {  	[sflag:s8] =	ssyncadd.s32 $0xFFFFFF80  }
0x145: {  	_ =	swait.ge [sflag:s8], $0x80  }
0x146: {  	[sflag:s8] =	ssyncset.done $0x0  }
0x147: {  	[sflag:s8] =	ssyncadd.s32 $0xFFFFFF80  }
0x148: {  	_ =	swait.ge [sflag:s8], $0x80  }
0x149: {  	[sflag:s8] =	ssyncset.done $0x0  }
0x14a: {  	[sflag:s8] =	ssyncadd.s32 $0xFFFFFF80  }
0x14b: {  	_ =	swait.ge [sflag:s8], $0x80  }
0x14c: {  	[sflag:s8] =	ssyncset.done $0x0  }
0x14d: {  	[sflag:s8] =	ssyncadd.s32 $0xFFFFFF80  }
0x14e: {  	_ =	swait.ge [sflag:s8], $0x80  }
0x14f: {  	[sflag:s8] =	ssyncset.done $0x0  }
0x150: {  	[sflag:s8] =	ssyncadd.s32 $0xFFFFFF80  }
0x151: {  	_ =	swait.ge [sflag:s8], $0x80  }
0x152: {  	[sflag:s8] =	ssyncset.done $0x0  }
0x153: {  	[sflag:s8] =	ssyncadd.s32 $0xFFFFFF80  }
0x154: {  	_ =	swait.ge [sflag:s8], $0x80  }
0x155: {  	[sflag:s8] =	ssyncset.done $0x0  }
0x156: {  	[sflag:s8] =	ssyncadd.s32 $0xFFFFFF80  }
0x157: {  	_ =	swait.ge [sflag:s8], $0x80  }
0x158: {  	[sflag:s8] =	ssyncset.done $0x0  }
0x159: {  	[sflag:s8] =	ssyncadd.s32 $0xFFFFFF80  }
0x15a: {  	_ =	swait.ge [sflag:s8], $0x80  }
0x15b: {  	[sflag:s8] =	ssyncset.done $0x0  }
0x15c: {  	[sflag:s8] =	ssyncadd.s32 $0xFFFFFF80  }
0x15d: {  	_ =	swait.ge [sflag:s8], $0x80  }
0x15e: {  	[sflag:s8] =	ssyncset.done $0x0  }
0x15f: {  	[sflag:s8] =	ssyncadd.s32 $0xFFFFFF80  }
0x160: {  	_ =	swait.ge [sflag:s8], $0x80  }
0x161: {  	[sflag:s8] =	ssyncset.done $0x0  }
0x162: {  	[sflag:s8] =	ssyncadd.s32 $0xFFFFFF80  }
0x163: {  	_ =	swait.ge [sflag:s8], $0x80  }
0x164: {  	[sflag:s8] =	ssyncset.done $0x0  }
0x165: {  	[sflag:s8] =	ssyncadd.s32 $0xFFFFFF80  }
0x166: {  	_ =	swait.ge [sflag:s8], $0x80  }
0x167: {  	[sflag:s8] =	ssyncset.done $0x0  }
0x168: {  	[sflag:s8] =	ssyncadd.s32 $0xFFFFFF80  }
0x169: {  	_ =	swait.ge [sflag:s8], $0x80  }
0x16a: {  	[sflag:s8] =	ssyncset.done $0x0  }
0x16b: {  	[sflag:s8] =	ssyncadd.s32 $0xFFFFFF80  }
0x16c: {  	_ =	swait.ge [sflag:s8], $0x80  }
0x16d: {  	[sflag:s8] =	ssyncset.done $0x0  }
0x16e: {  	[sflag:s8] =	ssyncadd.s32 $0xFFFFFF80  }
0x16f: {  	_ =	swait.ge [sflag:s8], $0x80  }
0x170: {  	[sflag:s8] =	ssyncset.done $0x0  }
0x171: {  	[sflag:s8] =	ssyncadd.s32 $0xFFFFFF80  }
0x172: {  	_ =	swait.ge [sflag:s8], $0x80  }
0x173: {  	[sflag:s8] =	ssyncset.done $0x0  }
0x174: {  	[sflag:s8] =	ssyncadd.s32 $0xFFFFFF80  }
0x175: {  	_ =	swait.ge [sflag:s8], $0x80  }
0x176: {  	s11 =	simm.s32 $0xF;
	[sflag:s8] =	ssyncset.done $0x0  }
.LBB2_4:
0x177: {  	p0 =	sne.s32 s11, $0x1;
	s11 =	sadd.s32 $0xFFFFFFFF, s11;
	[sflag:s8] =	ssyncadd.s32 $0xFFFFFF80  }
0x178: {  	_ =	swait.ge [sflag:s8], $0x80  }
0x179: {  	[sflag:s8] =	ssyncset.done $0x0  }
0x17a: {  	[sflag:s8] =	ssyncadd.s32 $0xFFFFFF80  }
0x17b: {  	_ =	swait.ge [sflag:s8], $0x80  }
0x17c: {  	[sflag:s8] =	ssyncset.done $0x0  }
0x17d: {  	[sflag:s8] =	ssyncadd.s32 $0xFFFFFF80  }
0x17e: {  	_ =	swait.ge [sflag:s8], $0x80  }
0x17f: {  	[sflag:s8] =	ssyncset.done $0x0  }
0x180: {  	[sflag:s8] =	ssyncadd.s32 $0xFFFFFF80  }
0x181: {  	_ =	swait.ge [sflag:s8], $0x80  }
0x182: {  	[sflag:s8] =	ssyncset.done $0x0  }
0x183: {  	[sflag:s8] =	ssyncadd.s32 $0xFFFFFF80  }
0x184: {  	_ =	swait.ge [sflag:s8], $0x80  }
0x185: {  	[sflag:s8] =	ssyncset.done $0x0  }
0x186: {  	[sflag:s8] =	ssyncadd.s32 $0xFFFFFF80  }
0x187: {  	_ =	swait.ge [sflag:s8], $0x80  }
0x188: {  	[sflag:s8] =	ssyncset.done $0x0  }
0x189: {  	[sflag:s8] =	ssyncadd.s32 $0xFFFFFF80  }
0x18a: {  	_ =	swait.ge [sflag:s8], $0x80  }
0x18b: {  	[sflag:s8] =	ssyncset.done $0x0  }
0x18c: {  	[sflag:s8] =	ssyncadd.s32 $0xFFFFFF80  }
0x18d: {  	_ =	swait.ge [sflag:s8], $0x80  }
0x18e: {  	[sflag:s8] =	ssyncset.done $0x0  }
0x18f: {  	[sflag:s8] =	ssyncadd.s32 $0xFFFFFF80  }
0x190: {  	_ =	swait.ge [sflag:s8], $0x80  }
0x191: {  	[sflag:s8] =	ssyncset.done $0x0  }
0x192: {  	[sflag:s8] =	ssyncadd.s32 $0xFFFFFF80  }
0x193: {  	_ =	swait.ge [sflag:s8], $0x80  }
0x194: {  	[sflag:s8] =	ssyncset.done $0x0  }
0x195: {  	[sflag:s8] =	ssyncadd.s32 $0xFFFFFF80  }
0x196: {  	_ =	swait.ge [sflag:s8], $0x80  }
0x197: {  	[sflag:s8] =	ssyncset.done $0x0  }
0x198: {  	[sflag:s8] =	ssyncadd.s32 $0xFFFFFF80  }
0x199: {  	_ =	swait.ge [sflag:s8], $0x80  }
0x19a: {  	[sflag:s8] =	ssyncset.done $0x0  }
0x19b: {  	[sflag:s8] =	ssyncadd.s32 $0xFFFFFF80  }
0x19c: {  	_ =	swait.ge [sflag:s8], $0x80  }
0x19d: {  	[sflag:s8] =	ssyncset.done $0x0  }
0x19e: {  	[sflag:s8] =	ssyncadd.s32 $0xFFFFFF80  }
0x19f: {  	_ =	swait.ge [sflag:s8], $0x80  }
0x1a0: {  	[sflag:s8] =	ssyncset.done $0x0  }
0x1a1: {  	[sflag:s8] =	ssyncadd.s32 $0xFFFFFF80  }
0x1a2: {  	_ =	swait.ge [sflag:s8], $0x80  }
0x1a3: {  	[sflag:s8] =	ssyncset.done $0x0  }
0x1a4: {  	[sflag:s8] =	ssyncadd.s32 $0xFFFFFF80  }
0x1a5: {  	_ =	swait.ge [sflag:s8], $0x80  }
0x1a6: {  	[sflag:s8] =	ssyncset.done $0x0  }
0x1a7: {  	[sflag:s8] =	ssyncadd.s32 $0xFFFFFF80  }
0x1a8: {  	_ =	swait.ge [sflag:s8], $0x80  }
0x1a9: {  	[sflag:s8] =	ssyncset.done $0x0  }
0x1aa: {  	[sflag:s8] =	ssyncadd.s32 $0xFFFFFF80  }
0x1ab: {  	_ =	swait.ge [sflag:s8], $0x80  }
0x1ac: {  	[sflag:s8] =	ssyncset.done $0x0  }
0x1ad: {  	[sflag:s8] =	ssyncadd.s32 $0xFFFFFF80  }
0x1ae: {  	_ =	swait.ge [sflag:s8], $0x80  }
0x1af: {  	[sflag:s8] =	ssyncset.done $0x0  }
0x1b0: {  	[sflag:s8] =	ssyncadd.s32 $0xFFFFFF80  }
0x1b1: {  	_ =	swait.ge [sflag:s8], $0x80  }
0x1b2: {  	[sflag:s8] =	ssyncset.done $0x0  }
0x1b3: {  	[sflag:s8] =	ssyncadd.s32 $0xFFFFFF80  }
0x1b4: {  	_ =	swait.ge [sflag:s8], $0x80  }
0x1b5: {  	[sflag:s8] =	ssyncset.done $0x0  }
0x1b6: {  	[sflag:s8] =	ssyncadd.s32 $0xFFFFFF80  }
0x1b7: {  	_ =	swait.ge [sflag:s8], $0x80  }
0x1b8: {  	[sflag:s8] =	ssyncset.done $0x0  }
0x1b9: {  	[sflag:s8] =	ssyncadd.s32 $0xFFFFFF80  }
0x1ba: {  	_ =	swait.ge [sflag:s8], $0x80  }
0x1bb: {  	[sflag:s8] =	ssyncset.done $0x0  }
0x1bc: {  	[sflag:s8] =	ssyncadd.s32 $0xFFFFFF80  }
0x1bd: {  	_ =	swait.ge [sflag:s8], $0x80  }
0x1be: {  	[sflag:s8] =	ssyncset.done $0x0  }
0x1bf: {  	[sflag:s8] =	ssyncadd.s32 $0xFFFFFF80  }
0x1c0: {  	_ =	swait.ge [sflag:s8], $0x80  }
0x1c1: {  	[sflag:s8] =	ssyncset.done $0x0  }
0x1c2: {  	[sflag:s8] =	ssyncadd.s32 $0xFFFFFF80  }
0x1c3: {  	_ =	swait.ge [sflag:s8], $0x80  }
0x1c4: {  	[sflag:s8] =	ssyncset.done $0x0  }
0x1c5: {  	[sflag:s8] =	ssyncadd.s32 $0xFFFFFF80  }
0x1c6: {  	_ =	swait.ge [sflag:s8], $0x80  }
0x1c7: {  	[sflag:s8] =	ssyncset.done $0x0  }
0x1c8: {  	[sflag:s8] =	ssyncadd.s32 $0xFFFFFF80  }
0x1c9: {  	_ =	swait.ge [sflag:s8], $0x80  }
0x1ca: {  	[sflag:s8] =	ssyncset.done $0x0  }
0x1cb: {  	[sflag:s8] =	ssyncadd.s32 $0xFFFFFF80  }
0x1cc: {  	_ =	swait.ge [sflag:s8], $0x80  }
0x1cd: {  	[sflag:s8] =	ssyncset.done $0x0  }
0x1ce: {  	[sflag:s8] =	ssyncadd.s32 $0xFFFFFF80  }
0x1cf: {  	_ =	swait.ge [sflag:s8], $0x80  }
0x1d0: {  	[sflag:s8] =	ssyncset.done $0x0  }
0x1d1: {  	[sflag:s8] =	ssyncadd.s32 $0xFFFFFF80  }
.Ltmp1:
0x1d2: {  	_ =	swait.ge [sflag:s8], $0x80;
	(pc) =	sbr.rel @p0 .LBB2_4-.Ltmp1, $4  }
0x1d3: {  	[sflag:s8] =	ssyncset.done $0x0  }
0x1d4: {  	[sflag:s8] =	ssyncadd.s32 $0xFFFFFF80  }
0x1d5: {  	_ =	swait.ge [sflag:s8], $0x80  }
0x1d6: {  	[sflag:s8] =	ssyncset.done $0x0  }
0x1d7: {  	[sflag:s8] =	ssyncadd.s32 $0xFFFFFF80  }
0x1d8: {  	_ =	strace $0x9000004A  }
0x1d9: {  	_ =	strace $0x8000004B  }
0x1da: {  	s1 =	simm.s32 $0x200;
	s0 =	rddreg [dreg:$0xd]  }
0x1db: {  	[hbm4b:s0+s2] =	stream.linear.scatter [tilespmem:s1], [sflag:$0x2], $0x10000, $0x200038;
	[tilespmem:$0x10200] =	vst v63  }
0x1dc: {  	s1 =	simm.s32 $0x2  }
0x1dd: {  	_ =	swait.ge [sflag:s1], $0x10000  }
0x1de: {  	s4 =	rddreg [dreg:$0xf]  }
0x1df: {  	s31 =	rddreg [dreg:$0xe];
	s4 =	sadd.s32 $0x1, s4  }
0x1e0: {  	p0 =	sne.s32 s4, s31  }
.Ltmp2:
0x1e1: {  	_ = 	snop;
	(pc) =	sbr.rel @p0 .LBB2_1-.Ltmp2, $4  }
0x1e2: {  	_ = 	snop  }
0x1e3: {  	[sflag:s1] =	ssyncset.done $0x0  }
0x1e4: {  	[sflag:s1] =	ssyncadd.s32 $0xFFFF0000  }
0x1e5: {  	_ =	strace $0x9000004B  }
0x1e6: {  	_ =	sfence.sel $0x180000  }
0x1e7: {  	[bflag:$0x0] =	sbarrier.arrive $0xFFFF  }
0x1e8: {  	_ =	strace $0x90000047  }
0x1e9: {  	s0 =	stileid.u32;
	[bflag:$0x2] =	sbarrier.arrive $0xFFFF  }
0x1ea: {  	p0 =	sne.s32 s0, $0x0;
	s0 =	rddreg [dreg:$0x2]  }
0x1eb: {  	s0 =	sadd.s32 @!p0 $0x100000, s0  }
0x1ec: {  	[sflag:s0] =	ssyncadd.tile.s32 @!p0 $0x1;
	_ =	shalt  }
.Lfunc_end2:
_tile_overlayer_lowered:
.L_overlay_start_2:
0x1ed: {  	(tag) =	ssettag $0x2  }
0x1ee: {  	s0 =	rddreg [dreg:$0x0];
	s2 =	stileid.u32  }
0x1ef: {  	s1 =	rddreg [dreg:$0x1];
	p0 =	sne.s32 s2, $0x0  }
0x1f0: {  	s3 =	rddreg [dreg:$0x2];
	[bflag:$0x3] =	sbarrier.arrive $0xFFFF;
	s2 =	simm.s32 @!p0 $0x1C02  }
0x1f1: {  	[timem:s3], [sflag:s2] =	dma.local @!p0 [hbm:s0], s1  }
0x1f2: {  	s0 =	simm.s32 @!p0 $0x2  }
0x1f3: {  	_ =	swait.ge @!p0 [sflag:s0], s1  }
0x1f4: {  	s1 =	ssub.s32 @!p0 $0x0, s1;
	[sflag:s0] =	ssyncset.done @!p0 $0x0  }
0x1f5: {  	[sflag:s0] =	ssyncadd.s32 @!p0 s1  }
0x1f6: {  	[bflag:$0x3] =	sbarrier.arrive $0xFFFF  }
0x1f7: {  	_ =	shalt  }

</sc_bundles>
